<compile_context>
chip_gen: v7x
topology: tpu7x:2x2x1
jax: 0.10.2.dev20260603
libtpu: 0.0.44.dev20260713+nightly
codegen_flags: <defaults>
</compile_context>

<pallas_src>
import functools

import jax
import jax.numpy as jnp
from jax import lax
from jax.experimental import pallas as pl
from jax.experimental.pallas import tpu as pltpu
from jax.experimental.pallas import tpu_sc as plsc

_CYCLE_LEN = 288
_NUM_NODES = 10000
_WPAD = 10112
_WBULK = 9984
_WTAIL = _NUM_NODES - _WBULK
_NB = 1024
_NT = 12
_NW = 32
_BPW = _NB // _NW


def _sc_gather_body(idx_hbm, table_hbm, out_hbm, idx_v, g8, g4, t8, t4,
                    gs8, gs4, ws8, ws4, ts8, ts4):
    wid = lax.axis_index("s") * 2 + lax.axis_index("c")
    pltpu.sync_copy(idx_hbm.at[wid], idx_v)

    def gather8(j):
        pltpu.async_copy(table_hbm.at[idx_v.at[j, pl.ds(0, 8)]], g8, gs8)

    def gather4(j):
        pltpu.async_copy(table_hbm.at[idx_v.at[j, pl.ds(8, 4)]], g4, gs4)

    def wait_gather8(j):
        pltpu.make_async_copy(
            table_hbm.at[idx_v.at[j, pl.ds(0, 8)]], g8, gs8).wait()

    def wait_gather4(j):
        pltpu.make_async_copy(
            table_hbm.at[idx_v.at[j, pl.ds(8, 4)]], g4, gs4).wait()

    def bulk8(j, do_wait):
        bb = wid * _BPW + j
        c = pltpu.make_async_copy(
            g8.at[:, pl.ds(0, _WBULK)],
            out_hbm.at[bb, pl.ds(0, 8), pl.ds(0, _WBULK)], ws8)
        c.wait() if do_wait else c.start()

    def bulk4(j, do_wait):
        bb = wid * _BPW + j
        c = pltpu.make_async_copy(
            g4.at[:, pl.ds(0, _WBULK)],
            out_hbm.at[bb, pl.ds(8, 4), pl.ds(0, _WBULK)], ws4)
        c.wait() if do_wait else c.start()

    def tail8(j, do_wait):
        bb = wid * _BPW + j
        c = pltpu.make_async_copy(
            t8, out_hbm.at[bb, pl.ds(0, 8), pl.ds(_WBULK, _WTAIL)], ts8)
        c.wait() if do_wait else c.start()

    def tail4(j, do_wait):
        bb = wid * _BPW + j
        c = pltpu.make_async_copy(
            t4, out_hbm.at[bb, pl.ds(8, 4), pl.ds(_WBULK, _WTAIL)], ts4)
        c.wait() if do_wait else c.start()

    def step(j, first, last):
        wait_gather8(j)
        if not first:
            tail8(j - 1, True)
        for r in range(8):
            t8[r, :] = g8[r, pl.ds(_WBULK, _WTAIL)]
        bulk8(j, False)
        tail8(j, False)
        wait_gather4(j)
        if not first:
            tail4(j - 1, True)
        for r in range(4):
            t4[r, :] = g4[r, pl.ds(_WBULK, _WTAIL)]
        bulk4(j, False)
        tail4(j, False)
        bulk8(j, True)
        if not last:
            gather8(j + 1)
        bulk4(j, True)
        if not last:
            gather4(j + 1)

    gather8(0)
    gather4(0)
    step(0, True, False)
    lax.fori_loop(1, _BPW - 1, lambda j, c: (step(j, False, False), c)[1], 0)
    step(_BPW - 1, False, True)
    tail8(_BPW - 1, True)
    tail4(_BPW - 1, True)


def kernel(index, data):
    idx = index.astype(jnp.int32)
    table = jnp.pad(data, ((0, 0), (0, _WPAD - _NUM_NODES)))
    mesh = plsc.VectorSubcoreMesh(core_axis_name="c", subcore_axis_name="s")
    run = functools.partial(
        pl.kernel,
        mesh=mesh,
        out_type=jax.ShapeDtypeStruct((_NB, _NT, _NUM_NODES), jnp.float32),
        scratch_types=[
            pltpu.VMEM((_BPW, _NT), jnp.int32),
            pltpu.VMEM((8, _WPAD), jnp.float32),
            pltpu.VMEM((4, _WPAD), jnp.float32),
            pltpu.VMEM((8, _WTAIL), jnp.float32),
            pltpu.VMEM((4, _WTAIL), jnp.float32),
            pltpu.SemaphoreType.DMA,
            pltpu.SemaphoreType.DMA,
            pltpu.SemaphoreType.DMA,
            pltpu.SemaphoreType.DMA,
            pltpu.SemaphoreType.DMA,
            pltpu.SemaphoreType.DMA,
        ],
        compiler_params=pltpu.CompilerParams(use_tc_tiling_on_sc=True),
    )(_sc_gather_body)
    return run(idx.reshape(_NW, _BPW, _NT), table)

# --- scband reference (transcript-rebuilt; emitter-appended) ---
"""Pipeline reference for scband-daily-cycle-62319975465037 (READ-ONLY COPY).

The authoritative reference and input builder live on the scoring server;
editing this copy changes nothing except your own understanding.
"""

import jax, jax.numpy as jnp
import numpy as np

CYCLE_LEN = 288
NUM_NODES = 10000


def setup_inputs(seed: int = 0) -> dict:
    key = jax.random.key(seed)
    k_idx, k_data = jax.random.split(key)
    index = jax.random.randint(k_idx, (1024, 12), 0, CYCLE_LEN, dtype=jnp.int64) if jax.config.jax_enable_x64 else jax.random.randint(k_idx, (1024, 12), 0, CYCLE_LEN, dtype=jnp.int32)
    # learned parameter: daily-cycle table [cycle_len, num_nodes]
    # (original init is zeros; use small random values so the gather output is non-trivial)
    data = jax.random.normal(k_data, (CYCLE_LEN, NUM_NODES), dtype=jnp.float32) * 0.02
    return {"index": index, "data": data}


def reference(index, data):
    # DailyCycle.forward: self.data[index.long()] -> row gather
    return jnp.take(data, index.astype(jnp.int32), axis=0)

if __name__ == "__main__":
    import jax
    _d = setup_inputs()
    print(jax.jit(kernel)(*tuple(_d.values())))

</pallas_src>

<mosaic_0001>
#map = affine_map<(d0, d1) -> (0, 0, 0)>
#map1 = affine_map<(d0, d1) -> (0, 0)>
module attributes {stable_mosaic.version = 14 : i64} {
  func.func @_sc_gather_body(%arg0: i32, %arg1: i32, %arg2: memref<32x32x12xi32, #tpu.memory_space<hbm>>, %arg3: memref<288x10112xf32, #tpu.memory_space<hbm>>, %arg4: memref<1024x12x10000xf32, #tpu.memory_space<hbm>>, %arg5: memref<32x12xi32, #tpu.memory_space<vmem>>, %arg6: memref<8x10112xf32, #tpu.memory_space<vmem>>, %arg7: memref<4x10112xf32, #tpu.memory_space<vmem>>, %arg8: memref<8x16xf32, #tpu.memory_space<vmem>>, %arg9: memref<4x16xf32, #tpu.memory_space<vmem>>, %arg10: memref<!tpu.dma_semaphore, #tpu.memory_space<semaphore_mem>>, %arg11: memref<!tpu.dma_semaphore, #tpu.memory_space<semaphore_mem>>, %arg12: memref<!tpu.dma_semaphore, #tpu.memory_space<semaphore_mem>>, %arg13: memref<!tpu.dma_semaphore, #tpu.memory_space<semaphore_mem>>, %arg14: memref<!tpu.dma_semaphore, #tpu.memory_space<semaphore_mem>>, %arg15: memref<!tpu.dma_semaphore, #tpu.memory_space<semaphore_mem>>) attributes {dimension_semantics = [#tpu.dimension_semantics<core_parallel>, #tpu.dimension_semantics<subcore_parallel>], iteration_bounds = array<i64: 2, 16>, scalar_prefetch = 0 : i64, scratch_operands = 11 : i64, tpu.core_type = #tpu.core_type<sc_vector_subcore>, window_params = [{transform_indices = #map}, {transform_indices = #map1}, {transform_indices = #map}]} {
    %mul3A = arith.constant 2 : i32
    %mul3A_0 = arith.muli %arg1, %mul3A : i32
    %add3A = arith.addi %mul3A_0, %arg0 : i32
    "tpu.region"() ({
      %run_scoped3A = tpu.sem_alloc : memref<!tpu.dma_semaphore, #tpu.memory_space<semaphore_mem>>
      %dma_start3A_562 = arith.constant 0 : i32
      %dma_start3A_563 = arith.constant 0 : i32
      %dma_start3A_564 = tpu.memref_slice %arg2[%add3A, %dma_start3A_562, %dma_start3A_563] : memref<32x32x12xi32, #tpu.memory_space<hbm>> -> memref<1x32x12xi32, #tpu.memory_space<hbm>>
      %dma_start3A_565 = tpu.memref_squeeze %dma_start3A_564 : memref<1x32x12xi32, #tpu.memory_space<hbm>> -> memref<32x12xi32, #tpu.memory_space<hbm>>
      %dma_start3A_566 = arith.constant 0 : i32
      %dma_start3A_567 = arith.constant 0 : i32
      %dma_start3A_568 = tpu.memref_slice %arg2[%add3A, %dma_start3A_566, %dma_start3A_567] : memref<32x32x12xi32, #tpu.memory_space<hbm>> -> memref<1x32x12xi32, #tpu.memory_space<hbm>>
      %dma_start3A_569 = tpu.memref_squeeze %dma_start3A_568 : memref<1x32x12xi32, #tpu.memory_space<hbm>> -> memref<32x12xi32, #tpu.memory_space<hbm>>
      tpu.enqueue_dma source(%dma_start3A_569 : memref<32x12xi32, #tpu.memory_space<hbm>>) target(%arg5 : memref<32x12xi32, #tpu.memory_space<vmem>>) target_semaphore(%run_scoped3A : memref<!tpu.dma_semaphore, #tpu.memory_space<semaphore_mem>>)
      %dma_wait3A_570 = arith.constant 0 : i32
      %dma_wait3A_571 = arith.constant 0 : i32
      %dma_wait3A_572 = tpu.memref_slice %arg2[%add3A, %dma_wait3A_570, %dma_wait3A_571] : memref<32x32x12xi32, #tpu.memory_space<hbm>> -> memref<1x32x12xi32, #tpu.memory_space<hbm>>
      %dma_wait3A_573 = tpu.memref_squeeze %dma_wait3A_572 : memref<1x32x12xi32, #tpu.memory_space<hbm>> -> memref<32x12xi32, #tpu.memory_space<hbm>>
      %dma_wait3A_574 = arith.constant 0 : i32
      %dma_wait3A_575 = arith.constant 0 : i32
      %dma_wait3A_576 = tpu.memref_slice %arg2[%add3A, %dma_wait3A_574, %dma_wait3A_575] : memref<32x32x12xi32, #tpu.memory_space<hbm>> -> memref<1x32x12xi32, #tpu.memory_space<hbm>>
      %dma_wait3A_577 = tpu.memref_squeeze %dma_wait3A_576 : memref<1x32x12xi32, #tpu.memory_space<hbm>> -> memref<32x12xi32, #tpu.memory_space<hbm>>
      tpu.wait_dma2 semaphore(%run_scoped3A : memref<!tpu.dma_semaphore, #tpu.memory_space<semaphore_mem>>) src(%dma_wait3A_577 : memref<32x12xi32, #tpu.memory_space<hbm>>) dst(%arg5 : memref<32x12xi32, #tpu.memory_space<vmem>>)
      tpu.yield
    }) : () -> ()
    %dma_start3A = arith.constant 0 : i32
    %dma_start3A_1 = arith.constant 0 : i32
    %dma_start3A_2 = tpu.memref_slice %arg5[%dma_start3A, %dma_start3A_1] : memref<32x12xi32, #tpu.memory_space<vmem>> -> memref<1x8xi32, #tpu.memory_space<vmem>>
    %dma_start3A_3 = tpu.memref_squeeze %dma_start3A_2 : memref<1x8xi32, #tpu.memory_space<vmem>> -> memref<8xi32, #tpu.memory_space<vmem>>
    %dma_start3A_4 = arith.constant 0 : i32
    %dma_start3A_5 = arith.constant 0 : i32
    %dma_start3A_6 = tpu.memref_slice %arg3[%dma_start3A_4, %dma_start3A_5] : memref<288x10112xf32, #tpu.memory_space<hbm>> -> memref<288x10112xf32, #tpu.memory_space<hbm>>
    tpu.enqueue_indirect_dma source(%dma_start3A_6 : memref<288x10112xf32, #tpu.memory_space<hbm>>) target(%arg6 : memref<8x10112xf32, #tpu.memory_space<vmem>>) offsets(%dma_start3A_3 : memref<8xi32, #tpu.memory_space<vmem>>) semaphore(%arg10 : memref<!tpu.dma_semaphore, #tpu.memory_space<semaphore_mem>>)
    %dma_start3A_7 = arith.constant 0 : i32
    %dma_start3A_8 = arith.constant 8 : i32
    %dma_start3A_9 = tpu.memref_slice %arg5[%dma_start3A_7, %dma_start3A_8] : memref<32x12xi32, #tpu.memory_space<vmem>> -> memref<1x4xi32, #tpu.memory_space<vmem>>
    %dma_start3A_10 = tpu.memref_squeeze %dma_start3A_9 : memref<1x4xi32, #tpu.memory_space<vmem>> -> memref<4xi32, #tpu.memory_space<vmem>>
    %dma_start3A_11 = arith.constant 0 : i32
    %dma_start3A_12 = arith.constant 0 : i32
    %dma_start3A_13 = tpu.memref_slice %arg3[%dma_start3A_11, %dma_start3A_12] : memref<288x10112xf32, #tpu.memory_space<hbm>> -> memref<288x10112xf32, #tpu.memory_space<hbm>>
    tpu.enqueue_indirect_dma source(%dma_start3A_13 : memref<288x10112xf32, #tpu.memory_space<hbm>>) target(%arg7 : memref<4x10112xf32, #tpu.memory_space<vmem>>) offsets(%dma_start3A_10 : memref<4xi32, #tpu.memory_space<vmem>>) semaphore(%arg11 : memref<!tpu.dma_semaphore, #tpu.memory_space<semaphore_mem>>)
    %dma_wait3A = arith.constant 0 : i32
    %dma_wait3A_14 = arith.constant 0 : i32
    %dma_wait3A_15 = tpu.memref_slice %arg5[%dma_wait3A, %dma_wait3A_14] : memref<32x12xi32, #tpu.memory_space<vmem>> -> memref<1x8xi32, #tpu.memory_space<vmem>>
    %dma_wait3A_16 = tpu.memref_squeeze %dma_wait3A_15 : memref<1x8xi32, #tpu.memory_space<vmem>> -> memref<8xi32, #tpu.memory_space<vmem>>
    %dma_wait3A_17 = arith.constant 0 : i32
    %dma_wait3A_18 = arith.constant 0 : i32
    %dma_wait3A_19 = tpu.memref_slice %arg3[%dma_wait3A_17, %dma_wait3A_18] : memref<288x10112xf32, #tpu.memory_space<hbm>> -> memref<288x10112xf32, #tpu.memory_space<hbm>>
    tpu.wait_indirect_dma semaphore(%arg10 : memref<!tpu.dma_semaphore, #tpu.memory_space<semaphore_mem>>) src(%dma_wait3A_19 : memref<288x10112xf32, #tpu.memory_space<hbm>>) dst(%arg6 : memref<8x10112xf32, #tpu.memory_space<vmem>>)
    %get3A = arith.constant 0 : i32
    %get3A_20 = arith.index_cast %get3A : i32 to index
    %get3A_21 = arith.constant 9984 : index
    %get3A_22 = tpu.vector_load %arg6[%get3A_20, %get3A_21] {strides = array<i32>} : memref<8x10112xf32, #tpu.memory_space<vmem>>, vector<1x16xf32>,
    %get3A_23 = vector.shape_cast %get3A_22 : vector<1x16xf32> to vector<16xf32>
    %swap3A = arith.constant 0 : i32
    %swap3A_24 = arith.index_cast %swap3A : i32 to index
    %swap3A_25 = arith.constant 0 : index
    %swap3A_26 = tpu.vector_load %arg8[%swap3A_24, %swap3A_25] {strides = array<i32>} : memref<8x16xf32, #tpu.memory_space<vmem>>, vector<1x16xf32>,
    %swap3A_27 = vector.shape_cast %swap3A_26 : vector<1x16xf32> to vector<16xf32>
    %swap3A_28 = vector.shape_cast %get3A_23 : vector<16xf32> to vector<1x16xf32>
    tpu.vector_store %arg8[%swap3A_24, %swap3A_25], %swap3A_28 {strides = array<i32>} : memref<8x16xf32, #tpu.memory_space<vmem>>, vector<1x16xf32>,
    %get3A_29 = arith.constant 1 : i32
    %get3A_30 = arith.index_cast %get3A_29 : i32 to index
    %get3A_31 = arith.constant 9984 : index
    %get3A_32 = tpu.vector_load %arg6[%get3A_30, %get3A_31] {strides = array<i32>} : memref<8x10112xf32, #tpu.memory_space<vmem>>, vector<1x16xf32>,
    %get3A_33 = vector.shape_cast %get3A_32 : vector<1x16xf32> to vector<16xf32>
    %swap3A_34 = arith.constant 1 : i32
    %swap3A_35 = arith.index_cast %swap3A_34 : i32 to index
    %swap3A_36 = arith.constant 0 : index
    %swap3A_37 = tpu.vector_load %arg8[%swap3A_35, %swap3A_36] {strides = array<i32>} : memref<8x16xf32, #tpu.memory_space<vmem>>, vector<1x16xf32>,
    %swap3A_38 = vector.shape_cast %swap3A_37 : vector<1x16xf32> to vector<16xf32>
    %swap3A_39 = vector.shape_cast %get3A_33 : vector<16xf32> to vector<1x16xf32>
    tpu.vector_store %arg8[%swap3A_35, %swap3A_36], %swap3A_39 {strides = array<i32>} : memref<8x16xf32, #tpu.memory_space<vmem>>, vector<1x16xf32>,
    %get3A_40 = arith.constant 2 : i32
    %get3A_41 = arith.index_cast %get3A_40 : i32 to index
    %get3A_42 = arith.constant 9984 : index
    %get3A_43 = tpu.vector_load %arg6[%get3A_41, %get3A_42] {strides = array<i32>} : memref<8x10112xf32, #tpu.memory_space<vmem>>, vector<1x16xf32>,
    %get3A_44 = vector.shape_cast %get3A_43 : vector<1x16xf32> to vector<16xf32>
    %swap3A_45 = arith.constant 2 : i32
    %swap3A_46 = arith.index_cast %swap3A_45 : i32 to index
    %swap3A_47 = arith.constant 0 : index
    %swap3A_48 = tpu.vector_load %arg8[%swap3A_46, %swap3A_47] {strides = array<i32>} : memref<8x16xf32, #tpu.memory_space<vmem>>, vector<1x16xf32>,
    %swap3A_49 = vector.shape_cast %swap3A_48 : vector<1x16xf32> to vector<16xf32>
    %swap3A_50 = vector.shape_cast %get3A_44 : vector<16xf32> to vector<1x16xf32>
    tpu.vector_store %arg8[%swap3A_46, %swap3A_47], %swap3A_50 {strides = array<i32>} : memref<8x16xf32, #tpu.memory_space<vmem>>, vector<1x16xf32>,
    %get3A_51 = arith.constant 3 : i32
    %get3A_52 = arith.index_cast %get3A_51 : i32 to index
    %get3A_53 = arith.constant 9984 : index
    %get3A_54 = tpu.vector_load %arg6[%get3A_52, %get3A_53] {strides = array<i32>} : memref<8x10112xf32, #tpu.memory_space<vmem>>, vector<1x16xf32>,
    %get3A_55 = vector.shape_cast %get3A_54 : vector<1x16xf32> to vector<16xf32>
    %swap3A_56 = arith.constant 3 : i32
    %swap3A_57 = arith.index_cast %swap3A_56 : i32 to index
    %swap3A_58 = arith.constant 0 : index
    %swap3A_59 = tpu.vector_load %arg8[%swap3A_57, %swap3A_58] {strides = array<i32>} : memref<8x16xf32, #tpu.memory_space<vmem>>, vector<1x16xf32>,
    %swap3A_60 = vector.shape_cast %swap3A_59 : vector<1x16xf32> to vector<16xf32>
    %swap3A_61 = vector.shape_cast %get3A_55 : vector<16xf32> to vector<1x16xf32>
    tpu.vector_store %arg8[%swap3A_57, %swap3A_58], %swap3A_61 {strides = array<i32>} : memref<8x16xf32, #tpu.memory_space<vmem>>, vector<1x16xf32>,
    %get3A_62 = arith.constant 4 : i32
    %get3A_63 = arith.index_cast %get3A_62 : i32 to index
    %get3A_64 = arith.constant 9984 : index
    %get3A_65 = tpu.vector_load %arg6[%get3A_63, %get3A_64] {strides = array<i32>} : memref<8x10112xf32, #tpu.memory_space<vmem>>, vector<1x16xf32>,
    %get3A_66 = vector.shape_cast %get3A_65 : vector<1x16xf32> to vector<16xf32>
    %swap3A_67 = arith.constant 4 : i32
    %swap3A_68 = arith.index_cast %swap3A_67 : i32 to index
    %swap3A_69 = arith.constant 0 : index
    %swap3A_70 = tpu.vector_load %arg8[%swap3A_68, %swap3A_69] {strides = array<i32>} : memref<8x16xf32, #tpu.memory_space<vmem>>, vector<1x16xf32>,
    %swap3A_71 = vector.shape_cast %swap3A_70 : vector<1x16xf32> to vector<16xf32>
    %swap3A_72 = vector.shape_cast %get3A_66 : vector<16xf32> to vector<1x16xf32>
    tpu.vector_store %arg8[%swap3A_68, %swap3A_69], %swap3A_72 {strides = array<i32>} : memref<8x16xf32, #tpu.memory_space<vmem>>, vector<1x16xf32>,
    %get3A_73 = arith.constant 5 : i32
    %get3A_74 = arith.index_cast %get3A_73 : i32 to index
    %get3A_75 = arith.constant 9984 : index
    %get3A_76 = tpu.vector_load %arg6[%get3A_74, %get3A_75] {strides = array<i32>} : memref<8x10112xf32, #tpu.memory_space<vmem>>, vector<1x16xf32>,
    %get3A_77 = vector.shape_cast %get3A_76 : vector<1x16xf32> to vector<16xf32>
    %swap3A_78 = arith.constant 5 : i32
    %swap3A_79 = arith.index_cast %swap3A_78 : i32 to index
    %swap3A_80 = arith.constant 0 : index
    %swap3A_81 = tpu.vector_load %arg8[%swap3A_79, %swap3A_80] {strides = array<i32>} : memref<8x16xf32, #tpu.memory_space<vmem>>, vector<1x16xf32>,
    %swap3A_82 = vector.shape_cast %swap3A_81 : vector<1x16xf32> to vector<16xf32>
    %swap3A_83 = vector.shape_cast %get3A_77 : vector<16xf32> to vector<1x16xf32>
    tpu.vector_store %arg8[%swap3A_79, %swap3A_80], %swap3A_83 {strides = array<i32>} : memref<8x16xf32, #tpu.memory_space<vmem>>, vector<1x16xf32>,
    %get3A_84 = arith.constant 6 : i32
    %get3A_85 = arith.index_cast %get3A_84 : i32 to index
    %get3A_86 = arith.constant 9984 : index
    %get3A_87 = tpu.vector_load %arg6[%get3A_85, %get3A_86] {strides = array<i32>} : memref<8x10112xf32, #tpu.memory_space<vmem>>, vector<1x16xf32>,
    %get3A_88 = vector.shape_cast %get3A_87 : vector<1x16xf32> to vector<16xf32>
    %swap3A_89 = arith.constant 6 : i32
    %swap3A_90 = arith.index_cast %swap3A_89 : i32 to index
    %swap3A_91 = arith.constant 0 : index
    %swap3A_92 = tpu.vector_load %arg8[%swap3A_90, %swap3A_91] {strides = array<i32>} : memref<8x16xf32, #tpu.memory_space<vmem>>, vector<1x16xf32>,
    %swap3A_93 = vector.shape_cast %swap3A_92 : vector<1x16xf32> to vector<16xf32>
    %swap3A_94 = vector.shape_cast %get3A_88 : vector<16xf32> to vector<1x16xf32>
    tpu.vector_store %arg8[%swap3A_90, %swap3A_91], %swap3A_94 {strides = array<i32>} : memref<8x16xf32, #tpu.memory_space<vmem>>, vector<1x16xf32>,
    %get3A_95 = arith.constant 7 : i32
    %get3A_96 = arith.index_cast %get3A_95 : i32 to index
    %get3A_97 = arith.constant 9984 : index
    %get3A_98 = tpu.vector_load %arg6[%get3A_96, %get3A_97] {strides = array<i32>} : memref<8x10112xf32, #tpu.memory_space<vmem>>, vector<1x16xf32>,
    %get3A_99 = vector.shape_cast %get3A_98 : vector<1x16xf32> to vector<16xf32>
    %swap3A_100 = arith.constant 7 : i32
    %swap3A_101 = arith.index_cast %swap3A_100 : i32 to index
    %swap3A_102 = arith.constant 0 : index
    %swap3A_103 = tpu.vector_load %arg8[%swap3A_101, %swap3A_102] {strides = array<i32>} : memref<8x16xf32, #tpu.memory_space<vmem>>, vector<1x16xf32>,
    %swap3A_104 = vector.shape_cast %swap3A_103 : vector<1x16xf32> to vector<16xf32>
    %swap3A_105 = vector.shape_cast %get3A_99 : vector<16xf32> to vector<1x16xf32>
    tpu.vector_store %arg8[%swap3A_101, %swap3A_102], %swap3A_105 {strides = array<i32>} : memref<8x16xf32, #tpu.memory_space<vmem>>, vector<1x16xf32>,
    %mul3A_106 = arith.constant 32 : i32
    %mul3A_107 = arith.muli %add3A, %mul3A_106 : i32
    %add3A_108 = arith.constant 0 : i32
    %add3A_109 = arith.addi %mul3A_107, %add3A_108 : i32
    %dma_start3A_110 = arith.constant 0 : i32
    %dma_start3A_111 = arith.constant 0 : i32
    %dma_start3A_112 = tpu.memref_slice %arg6[%dma_start3A_110, %dma_start3A_111] : memref<8x10112xf32, #tpu.memory_space<vmem>> -> memref<8x9984xf32, #tpu.memory_space<vmem>>
    %dma_start3A_113 = arith.constant 0 : i32
    %dma_start3A_114 = arith.constant 0 : i32
    %dma_start3A_115 = tpu.memref_slice %arg4[%add3A_109, %dma_start3A_113, %dma_start3A_114] : memref<1024x12x10000xf32, #tpu.memory_space<hbm>> -> memref<1x8x9984xf32, #tpu.memory_space<hbm>>
    %dma_start3A_116 = tpu.memref_squeeze %dma_start3A_115 : memref<1x8x9984xf32, #tpu.memory_space<hbm>> -> memref<8x9984xf32, #tpu.memory_space<hbm>>
    %dma_start3A_117 = arith.constant 0 : i32
    %dma_start3A_118 = arith.constant 0 : i32
    %dma_start3A_119 = tpu.memref_slice %arg4[%add3A_109, %dma_start3A_117, %dma_start3A_118] : memref<1024x12x10000xf32, #tpu.memory_space<hbm>> -> memref<1x8x9984xf32, #tpu.memory_space<hbm>>
    %dma_start3A_120 = tpu.memref_squeeze %dma_start3A_119 : memref<1x8x9984xf32, #tpu.memory_space<hbm>> -> memref<8x9984xf32, #tpu.memory_space<hbm>>
    %dma_start3A_121 = arith.constant 0 : i32
    %dma_start3A_122 = arith.constant 0 : i32
    %dma_start3A_123 = tpu.memref_slice %arg6[%dma_start3A_121, %dma_start3A_122] : memref<8x10112xf32, #tpu.memory_space<vmem>> -> memref<8x9984xf32, #tpu.memory_space<vmem>>
    tpu.enqueue_dma source(%dma_start3A_123 : memref<8x9984xf32, #tpu.memory_space<vmem>>) target(%dma_start3A_120 : memref<8x9984xf32, #tpu.memory_space<hbm>>) target_semaphore(%arg12 : memref<!tpu.dma_semaphore, #tpu.memory_space<semaphore_mem>>)
    %mul3A_124 = arith.constant 32 : i32
    %mul3A_125 = arith.muli %add3A, %mul3A_124 : i32
    %add3A_126 = arith.constant 0 : i32
    %add3A_127 = arith.addi %mul3A_125, %add3A_126 : i32
    %dma_start3A_128 = arith.constant 0 : i32
    %dma_start3A_129 = arith.constant 9984 : i32
    %dma_start3A_130 = tpu.memref_slice %arg4[%add3A_127, %dma_start3A_128, %dma_start3A_129] : memref<1024x12x10000xf32, #tpu.memory_space<hbm>> -> memref<1x8x16xf32, #tpu.memory_space<hbm>>
    %dma_start3A_131 = tpu.memref_squeeze %dma_start3A_130 : memref<1x8x16xf32, #tpu.memory_space<hbm>> -> memref<8x16xf32, #tpu.memory_space<hbm>>
    %dma_start3A_132 = arith.constant 0 : i32
    %dma_start3A_133 = arith.constant 9984 : i32
    %dma_start3A_134 = tpu.memref_slice %arg4[%add3A_127, %dma_start3A_132, %dma_start3A_133] : memref<1024x12x10000xf32, #tpu.memory_space<hbm>> -> memref<1x8x16xf32, #tpu.memory_space<hbm>>
    %dma_start3A_135 = tpu.memref_squeeze %dma_start3A_134 : memref<1x8x16xf32, #tpu.memory_space<hbm>> -> memref<8x16xf32, #tpu.memory_space<hbm>>
    tpu.enqueue_dma source(%arg8 : memref<8x16xf32, #tpu.memory_space<vmem>>) target(%dma_start3A_135 : memref<8x16xf32, #tpu.memory_space<hbm>>) target_semaphore(%arg14 : memref<!tpu.dma_semaphore, #tpu.memory_space<semaphore_mem>>)
    %dma_wait3A_136 = arith.constant 0 : i32
    %dma_wait3A_137 = arith.constant 8 : i32
    %dma_wait3A_138 = tpu.memref_slice %arg5[%dma_wait3A_136, %dma_wait3A_137] : memref<32x12xi32, #tpu.memory_space<vmem>> -> memref<1x4xi32, #tpu.memory_space<vmem>>
    %dma_wait3A_139 = tpu.memref_squeeze %dma_wait3A_138 : memref<1x4xi32, #tpu.memory_space<vmem>> -> memref<4xi32, #tpu.memory_space<vmem>>
    %dma_wait3A_140 = arith.constant 0 : i32
    %dma_wait3A_141 = arith.constant 0 : i32
    %dma_wait3A_142 = tpu.memref_slice %arg3[%dma_wait3A_140, %dma_wait3A_141] : memref<288x10112xf32, #tpu.memory_space<hbm>> -> memref<288x10112xf32, #tpu.memory_space<hbm>>
    tpu.wait_indirect_dma semaphore(%arg11 : memref<!tpu.dma_semaphore, #tpu.memory_space<semaphore_mem>>) src(%dma_wait3A_142 : memref<288x10112xf32, #tpu.memory_space<hbm>>) dst(%arg7 : memref<4x10112xf32, #tpu.memory_space<vmem>>)
    %get3A_143 = arith.constant 0 : i32
    %get3A_144 = arith.index_cast %get3A_143 : i32 to index
    %get3A_145 = arith.constant 9984 : index
    %get3A_146 = tpu.vector_load %arg7[%get3A_144, %get3A_145] {strides = array<i32>} : memref<4x10112xf32, #tpu.memory_space<vmem>>, vector<1x16xf32>,
    %get3A_147 = vector.shape_cast %get3A_146 : vector<1x16xf32> to vector<16xf32>
    %swap3A_148 = arith.constant 0 : i32
    %swap3A_149 = arith.index_cast %swap3A_148 : i32 to index
    %swap3A_150 = arith.constant 0 : index
    %swap3A_151 = tpu.vector_load %arg9[%swap3A_149, %swap3A_150] {strides = array<i32>} : memref<4x16xf32, #tpu.memory_space<vmem>>, vector<1x16xf32>,
    %swap3A_152 = vector.shape_cast %swap3A_151 : vector<1x16xf32> to vector<16xf32>
    %swap3A_153 = vector.shape_cast %get3A_147 : vector<16xf32> to vector<1x16xf32>
    tpu.vector_store %arg9[%swap3A_149, %swap3A_150], %swap3A_153 {strides = array<i32>} : memref<4x16xf32, #tpu.memory_space<vmem>>, vector<1x16xf32>,
    %get3A_154 = arith.constant 1 : i32
    %get3A_155 = arith.index_cast %get3A_154 : i32 to index
    %get3A_156 = arith.constant 9984 : index
    %get3A_157 = tpu.vector_load %arg7[%get3A_155, %get3A_156] {strides = array<i32>} : memref<4x10112xf32, #tpu.memory_space<vmem>>, vector<1x16xf32>,
    %get3A_158 = vector.shape_cast %get3A_157 : vector<1x16xf32> to vector<16xf32>
    %swap3A_159 = arith.constant 1 : i32
    %swap3A_160 = arith.index_cast %swap3A_159 : i32 to index
    %swap3A_161 = arith.constant 0 : index
    %swap3A_162 = tpu.vector_load %arg9[%swap3A_160, %swap3A_161] {strides = array<i32>} : memref<4x16xf32, #tpu.memory_space<vmem>>, vector<1x16xf32>,
    %swap3A_163 = vector.shape_cast %swap3A_162 : vector<1x16xf32> to vector<16xf32>
    %swap3A_164 = vector.shape_cast %get3A_158 : vector<16xf32> to vector<1x16xf32>
    tpu.vector_store %arg9[%swap3A_160, %swap3A_161], %swap3A_164 {strides = array<i32>} : memref<4x16xf32, #tpu.memory_space<vmem>>, vector<1x16xf32>,
    %get3A_165 = arith.constant 2 : i32
    %get3A_166 = arith.index_cast %get3A_165 : i32 to index
    %get3A_167 = arith.constant 9984 : index
    %get3A_168 = tpu.vector_load %arg7[%get3A_166, %get3A_167] {strides = array<i32>} : memref<4x10112xf32, #tpu.memory_space<vmem>>, vector<1x16xf32>,
    %get3A_169 = vector.shape_cast %get3A_168 : vector<1x16xf32> to vector<16xf32>
    %swap3A_170 = arith.constant 2 : i32
    %swap3A_171 = arith.index_cast %swap3A_170 : i32 to index
    %swap3A_172 = arith.constant 0 : index
    %swap3A_173 = tpu.vector_load %arg9[%swap3A_171, %swap3A_172] {strides = array<i32>} : memref<4x16xf32, #tpu.memory_space<vmem>>, vector<1x16xf32>,
    %swap3A_174 = vector.shape_cast %swap3A_173 : vector<1x16xf32> to vector<16xf32>
    %swap3A_175 = vector.shape_cast %get3A_169 : vector<16xf32> to vector<1x16xf32>
    tpu.vector_store %arg9[%swap3A_171, %swap3A_172], %swap3A_175 {strides = array<i32>} : memref<4x16xf32, #tpu.memory_space<vmem>>, vector<1x16xf32>,
    %get3A_176 = arith.constant 3 : i32
    %get3A_177 = arith.index_cast %get3A_176 : i32 to index
    %get3A_178 = arith.constant 9984 : index
    %get3A_179 = tpu.vector_load %arg7[%get3A_177, %get3A_178] {strides = array<i32>} : memref<4x10112xf32, #tpu.memory_space<vmem>>, vector<1x16xf32>,
    %get3A_180 = vector.shape_cast %get3A_179 : vector<1x16xf32> to vector<16xf32>
    %swap3A_181 = arith.constant 3 : i32
    %swap3A_182 = arith.index_cast %swap3A_181 : i32 to index
    %swap3A_183 = arith.constant 0 : index
    %swap3A_184 = tpu.vector_load %arg9[%swap3A_182, %swap3A_183] {strides = array<i32>} : memref<4x16xf32, #tpu.memory_space<vmem>>, vector<1x16xf32>,
    %swap3A_185 = vector.shape_cast %swap3A_184 : vector<1x16xf32> to vector<16xf32>
    %swap3A_186 = vector.shape_cast %get3A_180 : vector<16xf32> to vector<1x16xf32>
    tpu.vector_store %arg9[%swap3A_182, %swap3A_183], %swap3A_186 {strides = array<i32>} : memref<4x16xf32, #tpu.memory_space<vmem>>, vector<1x16xf32>,
    %mul3A_187 = arith.constant 32 : i32
    %mul3A_188 = arith.muli %add3A, %mul3A_187 : i32
    %add3A_189 = arith.constant 0 : i32
    %add3A_190 = arith.addi %mul3A_188, %add3A_189 : i32
    %dma_start3A_191 = arith.constant 0 : i32
    %dma_start3A_192 = arith.constant 0 : i32
    %dma_start3A_193 = tpu.memref_slice %arg7[%dma_start3A_191, %dma_start3A_192] : memref<4x10112xf32, #tpu.memory_space<vmem>> -> memref<4x9984xf32, #tpu.memory_space<vmem>>
    %dma_start3A_194 = arith.constant 8 : i32
    %dma_start3A_195 = arith.constant 0 : i32
    %dma_start3A_196 = tpu.memref_slice %arg4[%add3A_190, %dma_start3A_194, %dma_start3A_195] : memref<1024x12x10000xf32, #tpu.memory_space<hbm>> -> memref<1x4x9984xf32, #tpu.memory_space<hbm>>
    %dma_start3A_197 = tpu.memref_squeeze %dma_start3A_196 : memref<1x4x9984xf32, #tpu.memory_space<hbm>> -> memref<4x9984xf32, #tpu.memory_space<hbm>>
    %dma_start3A_198 = arith.constant 8 : i32
    %dma_start3A_199 = arith.constant 0 : i32
    %dma_start3A_200 = tpu.memref_slice %arg4[%add3A_190, %dma_start3A_198, %dma_start3A_199] : memref<1024x12x10000xf32, #tpu.memory_space<hbm>> -> memref<1x4x9984xf32, #tpu.memory_space<hbm>>
    %dma_start3A_201 = tpu.memref_squeeze %dma_start3A_200 : memref<1x4x9984xf32, #tpu.memory_space<hbm>> -> memref<4x9984xf32, #tpu.memory_space<hbm>>
    %dma_start3A_202 = arith.constant 0 : i32
    %dma_start3A_203 = arith.constant 0 : i32
    %dma_start3A_204 = tpu.memref_slice %arg7[%dma_start3A_202, %dma_start3A_203] : memref<4x10112xf32, #tpu.memory_space<vmem>> -> memref<4x9984xf32, #tpu.memory_space<vmem>>
    tpu.enqueue_dma source(%dma_start3A_204 : memref<4x9984xf32, #tpu.memory_space<vmem>>) target(%dma_start3A_201 : memref<4x9984xf32, #tpu.memory_space<hbm>>) target_semaphore(%arg13 : memref<!tpu.dma_semaphore, #tpu.memory_space<semaphore_mem>>)
    %mul3A_205 = arith.constant 32 : i32
    %mul3A_206 = arith.muli %add3A, %mul3A_205 : i32
    %add3A_207 = arith.constant 0 : i32
    %add3A_208 = arith.addi %mul3A_206, %add3A_207 : i32
    %dma_start3A_209 = arith.constant 8 : i32
    %dma_start3A_210 = arith.constant 9984 : i32
    %dma_start3A_211 = tpu.memref_slice %arg4[%add3A_208, %dma_start3A_209, %dma_start3A_210] : memref<1024x12x10000xf32, #tpu.memory_space<hbm>> -> memref<1x4x16xf32, #tpu.memory_space<hbm>>
    %dma_start3A_212 = tpu.memref_squeeze %dma_start3A_211 : memref<1x4x16xf32, #tpu.memory_space<hbm>> -> memref<4x16xf32, #tpu.memory_space<hbm>>
    %dma_start3A_213 = arith.constant 8 : i32
    %dma_start3A_214 = arith.constant 9984 : i32
    %dma_start3A_215 = tpu.memref_slice %arg4[%add3A_208, %dma_start3A_213, %dma_start3A_214] : memref<1024x12x10000xf32, #tpu.memory_space<hbm>> -> memref<1x4x16xf32, #tpu.memory_space<hbm>>
    %dma_start3A_216 = tpu.memref_squeeze %dma_start3A_215 : memref<1x4x16xf32, #tpu.memory_space<hbm>> -> memref<4x16xf32, #tpu.memory_space<hbm>>
    tpu.enqueue_dma source(%arg9 : memref<4x16xf32, #tpu.memory_space<vmem>>) target(%dma_start3A_216 : memref<4x16xf32, #tpu.memory_space<hbm>>) target_semaphore(%arg15 : memref<!tpu.dma_semaphore, #tpu.memory_space<semaphore_mem>>)
    %mul3A_217 = arith.constant 32 : i32
    %mul3A_218 = arith.muli %add3A, %mul3A_217 : i32
    %add3A_219 = arith.constant 0 : i32
    %add3A_220 = arith.addi %mul3A_218, %add3A_219 : i32
    %dma_wait3A_221 = arith.constant 0 : i32
    %dma_wait3A_222 = arith.constant 0 : i32
    %dma_wait3A_223 = tpu.memref_slice %arg6[%dma_wait3A_221, %dma_wait3A_222] : memref<8x10112xf32, #tpu.memory_space<vmem>> -> memref<8x9984xf32, #tpu.memory_space<vmem>>
    %dma_wait3A_224 = arith.constant 0 : i32
    %dma_wait3A_225 = arith.constant 0 : i32
    %dma_wait3A_226 = tpu.memref_slice %arg4[%add3A_220, %dma_wait3A_224, %dma_wait3A_225] : memref<1024x12x10000xf32, #tpu.memory_space<hbm>> -> memref<1x8x9984xf32, #tpu.memory_space<hbm>>
    %dma_wait3A_227 = tpu.memref_squeeze %dma_wait3A_226 : memref<1x8x9984xf32, #tpu.memory_space<hbm>> -> memref<8x9984xf32, #tpu.memory_space<hbm>>
    %dma_wait3A_228 = arith.constant 0 : i32
    %dma_wait3A_229 = arith.constant 0 : i32
    %dma_wait3A_230 = tpu.memref_slice %arg4[%add3A_220, %dma_wait3A_228, %dma_wait3A_229] : memref<1024x12x10000xf32, #tpu.memory_space<hbm>> -> memref<1x8x9984xf32, #tpu.memory_space<hbm>>
    %dma_wait3A_231 = tpu.memref_squeeze %dma_wait3A_230 : memref<1x8x9984xf32, #tpu.memory_space<hbm>> -> memref<8x9984xf32, #tpu.memory_space<hbm>>
    %dma_wait3A_232 = arith.constant 0 : i32
    %dma_wait3A_233 = arith.constant 0 : i32
    %dma_wait3A_234 = tpu.memref_slice %arg6[%dma_wait3A_232, %dma_wait3A_233] : memref<8x10112xf32, #tpu.memory_space<vmem>> -> memref<8x9984xf32, #tpu.memory_space<vmem>>
    tpu.wait_dma2 semaphore(%arg12 : memref<!tpu.dma_semaphore, #tpu.memory_space<semaphore_mem>>) src(%dma_wait3A_234 : memref<8x9984xf32, #tpu.memory_space<vmem>>) dst(%dma_wait3A_231 : memref<8x9984xf32, #tpu.memory_space<hbm>>)
    %dma_start3A_235 = arith.constant 1 : i32
    %dma_start3A_236 = arith.constant 0 : i32
    %dma_start3A_237 = tpu.memref_slice %arg5[%dma_start3A_235, %dma_start3A_236] : memref<32x12xi32, #tpu.memory_space<vmem>> -> memref<1x8xi32, #tpu.memory_space<vmem>>
    %dma_start3A_238 = tpu.memref_squeeze %dma_start3A_237 : memref<1x8xi32, #tpu.memory_space<vmem>> -> memref<8xi32, #tpu.memory_space<vmem>>
    %dma_start3A_239 = arith.constant 0 : i32
    %dma_start3A_240 = arith.constant 0 : i32
    %dma_start3A_241 = tpu.memref_slice %arg3[%dma_start3A_239, %dma_start3A_240] : memref<288x10112xf32, #tpu.memory_space<hbm>> -> memref<288x10112xf32, #tpu.memory_space<hbm>>
    tpu.enqueue_indirect_dma source(%dma_start3A_241 : memref<288x10112xf32, #tpu.memory_space<hbm>>) target(%arg6 : memref<8x10112xf32, #tpu.memory_space<vmem>>) offsets(%dma_start3A_238 : memref<8xi32, #tpu.memory_space<vmem>>) semaphore(%arg10 : memref<!tpu.dma_semaphore, #tpu.memory_space<semaphore_mem>>)
    %mul3A_242 = arith.constant 32 : i32
    %mul3A_243 = arith.muli %add3A, %mul3A_242 : i32
    %add3A_244 = arith.constant 0 : i32
    %add3A_245 = arith.addi %mul3A_243, %add3A_244 : i32
    %dma_wait3A_246 = arith.constant 0 : i32
    %dma_wait3A_247 = arith.constant 0 : i32
    %dma_wait3A_248 = tpu.memref_slice %arg7[%dma_wait3A_246, %dma_wait3A_247] : memref<4x10112xf32, #tpu.memory_space<vmem>> -> memref<4x9984xf32, #tpu.memory_space<vmem>>
    %dma_wait3A_249 = arith.constant 8 : i32
    %dma_wait3A_250 = arith.constant 0 : i32
    %dma_wait3A_251 = tpu.memref_slice %arg4[%add3A_245, %dma_wait3A_249, %dma_wait3A_250] : memref<1024x12x10000xf32, #tpu.memory_space<hbm>> -> memref<1x4x9984xf32, #tpu.memory_space<hbm>>
    %dma_wait3A_252 = tpu.memref_squeeze %dma_wait3A_251 : memref<1x4x9984xf32, #tpu.memory_space<hbm>> -> memref<4x9984xf32, #tpu.memory_space<hbm>>
    %dma_wait3A_253 = arith.constant 8 : i32
    %dma_wait3A_254 = arith.constant 0 : i32
    %dma_wait3A_255 = tpu.memref_slice %arg4[%add3A_245, %dma_wait3A_253, %dma_wait3A_254] : memref<1024x12x10000xf32, #tpu.memory_space<hbm>> -> memref<1x4x9984xf32, #tpu.memory_space<hbm>>
    %dma_wait3A_256 = tpu.memref_squeeze %dma_wait3A_255 : memref<1x4x9984xf32, #tpu.memory_space<hbm>> -> memref<4x9984xf32, #tpu.memory_space<hbm>>
    %dma_wait3A_257 = arith.constant 0 : i32
    %dma_wait3A_258 = arith.constant 0 : i32
    %dma_wait3A_259 = tpu.memref_slice %arg7[%dma_wait3A_257, %dma_wait3A_258] : memref<4x10112xf32, #tpu.memory_space<vmem>> -> memref<4x9984xf32, #tpu.memory_space<vmem>>
    tpu.wait_dma2 semaphore(%arg13 : memref<!tpu.dma_semaphore, #tpu.memory_space<semaphore_mem>>) src(%dma_wait3A_259 : memref<4x9984xf32, #tpu.memory_space<vmem>>) dst(%dma_wait3A_256 : memref<4x9984xf32, #tpu.memory_space<hbm>>)
    %dma_start3A_260 = arith.constant 1 : i32
    %dma_start3A_261 = arith.constant 8 : i32
    %dma_start3A_262 = tpu.memref_slice %arg5[%dma_start3A_260, %dma_start3A_261] : memref<32x12xi32, #tpu.memory_space<vmem>> -> memref<1x4xi32, #tpu.memory_space<vmem>>
    %dma_start3A_263 = tpu.memref_squeeze %dma_start3A_262 : memref<1x4xi32, #tpu.memory_space<vmem>> -> memref<4xi32, #tpu.memory_space<vmem>>
    %dma_start3A_264 = arith.constant 0 : i32
    %dma_start3A_265 = arith.constant 0 : i32
    %dma_start3A_266 = tpu.memref_slice %arg3[%dma_start3A_264, %dma_start3A_265] : memref<288x10112xf32, #tpu.memory_space<hbm>> -> memref<288x10112xf32, #tpu.memory_space<hbm>>
    tpu.enqueue_indirect_dma source(%dma_start3A_266 : memref<288x10112xf32, #tpu.memory_space<hbm>>) target(%arg7 : memref<4x10112xf32, #tpu.memory_space<vmem>>) offsets(%dma_start3A_263 : memref<4xi32, #tpu.memory_space<vmem>>) semaphore(%arg11 : memref<!tpu.dma_semaphore, #tpu.memory_space<semaphore_mem>>)
    %scan3A = arith.constant 0 : i32
    %scan3A_267 = arith.constant 1 : i32
    %scan3A_268 = arith.constant 30 : i32
    %scan3A_269 = arith.addi %scan3A_267, %scan3A_268 : i32
    %scan3A_270 = arith.constant 1 : i32
    scf.for %scan3A_562 = %scan3A_267 to %scan3A_269 step %scan3A_270  : i32 {
      %dma_wait3A_563 = arith.constant 0 : i32
      %dma_wait3A_564 = tpu.memref_slice %arg5[%scan3A_562, %dma_wait3A_563] : memref<32x12xi32, #tpu.memory_space<vmem>> -> memref<1x8xi32, #tpu.memory_space<vmem>>
      %dma_wait3A_565 = tpu.memref_squeeze %dma_wait3A_564 : memref<1x8xi32, #tpu.memory_space<vmem>> -> memref<8xi32, #tpu.memory_space<vmem>>
      %dma_wait3A_566 = arith.constant 0 : i32
      %dma_wait3A_567 = arith.constant 0 : i32
      %dma_wait3A_568 = tpu.memref_slice %arg3[%dma_wait3A_566, %dma_wait3A_567] : memref<288x10112xf32, #tpu.memory_space<hbm>> -> memref<288x10112xf32, #tpu.memory_space<hbm>>
      tpu.wait_indirect_dma semaphore(%arg10 : memref<!tpu.dma_semaphore, #tpu.memory_space<semaphore_mem>>) src(%dma_wait3A_568 : memref<288x10112xf32, #tpu.memory_space<hbm>>) dst(%arg6 : memref<8x10112xf32, #tpu.memory_space<vmem>>)
      %sub3A = arith.constant 1 : i32
      %sub3A_569 = arith.subi %scan3A_562, %sub3A : i32
      %mul3A_570 = arith.constant 32 : i32
      %mul3A_571 = arith.muli %add3A, %mul3A_570 : i32
      %add3A_572 = arith.addi %mul3A_571, %sub3A_569 : i32
      %dma_wait3A_573 = arith.constant 0 : i32
      %dma_wait3A_574 = arith.constant 9984 : i32
      %dma_wait3A_575 = tpu.memref_slice %arg4[%add3A_572, %dma_wait3A_573, %dma_wait3A_574] : memref<1024x12x10000xf32, #tpu.memory_space<hbm>> -> memref<1x8x16xf32, #tpu.memory_space<hbm>>
      %dma_wait3A_576 = tpu.memref_squeeze %dma_wait3A_575 : memref<1x8x16xf32, #tpu.memory_space<hbm>> -> memref<8x16xf32, #tpu.memory_space<hbm>>
      %dma_wait3A_577 = arith.constant 0 : i32
      %dma_wait3A_578 = arith.constant 9984 : i32
      %dma_wait3A_579 = tpu.memref_slice %arg4[%add3A_572, %dma_wait3A_577, %dma_wait3A_578] : memref<1024x12x10000xf32, #tpu.memory_space<hbm>> -> memref<1x8x16xf32, #tpu.memory_space<hbm>>
      %dma_wait3A_580 = tpu.memref_squeeze %dma_wait3A_579 : memref<1x8x16xf32, #tpu.memory_space<hbm>> -> memref<8x16xf32, #tpu.memory_space<hbm>>
      tpu.wait_dma2 semaphore(%arg14 : memref<!tpu.dma_semaphore, #tpu.memory_space<semaphore_mem>>) src(%arg8 : memref<8x16xf32, #tpu.memory_space<vmem>>) dst(%dma_wait3A_580 : memref<8x16xf32, #tpu.memory_space<hbm>>)
      %get3A_581 = arith.constant 0 : i32
      %get3A_582 = arith.index_cast %get3A_581 : i32 to index
      %get3A_583 = arith.constant 9984 : index
      %get3A_584 = tpu.vector_load %arg6[%get3A_582, %get3A_583] {strides = array<i32>} : memref<8x10112xf32, #tpu.memory_space<vmem>>, vector<1x16xf32>,
      %get3A_585 = vector.shape_cast %get3A_584 : vector<1x16xf32> to vector<16xf32>
      %swap3A_586 = arith.constant 0 : i32
      %swap3A_587 = arith.index_cast %swap3A_586 : i32 to index
      %swap3A_588 = arith.constant 0 : index
      %swap3A_589 = tpu.vector_load %arg8[%swap3A_587, %swap3A_588] {strides = array<i32>} : memref<8x16xf32, #tpu.memory_space<vmem>>, vector<1x16xf32>,
      %swap3A_590 = vector.shape_cast %swap3A_589 : vector<1x16xf32> to vector<16xf32>
      %swap3A_591 = vector.shape_cast %get3A_585 : vector<16xf32> to vector<1x16xf32>
      tpu.vector_store %arg8[%swap3A_587, %swap3A_588], %swap3A_591 {strides = array<i32>} : memref<8x16xf32, #tpu.memory_space<vmem>>, vector<1x16xf32>,
      %get3A_592 = arith.constant 1 : i32
      %get3A_593 = arith.index_cast %get3A_592 : i32 to index
      %get3A_594 = arith.constant 9984 : index
      %get3A_595 = tpu.vector_load %arg6[%get3A_593, %get3A_594] {strides = array<i32>} : memref<8x10112xf32, #tpu.memory_space<vmem>>, vector<1x16xf32>,
      %get3A_596 = vector.shape_cast %get3A_595 : vector<1x16xf32> to vector<16xf32>
      %swap3A_597 = arith.constant 1 : i32
      %swap3A_598 = arith.index_cast %swap3A_597 : i32 to index
      %swap3A_599 = arith.constant 0 : index
      %swap3A_600 = tpu.vector_load %arg8[%swap3A_598, %swap3A_599] {strides = array<i32>} : memref<8x16xf32, #tpu.memory_space<vmem>>, vector<1x16xf32>,
      %swap3A_601 = vector.shape_cast %swap3A_600 : vector<1x16xf32> to vector<16xf32>
      %swap3A_602 = vector.shape_cast %get3A_596 : vector<16xf32> to vector<1x16xf32>
      tpu.vector_store %arg8[%swap3A_598, %swap3A_599], %swap3A_602 {strides = array<i32>} : memref<8x16xf32, #tpu.memory_space<vmem>>, vector<1x16xf32>,
      %get3A_603 = arith.constant 2 : i32
      %get3A_604 = arith.index_cast %get3A_603 : i32 to index
      %get3A_605 = arith.constant 9984 : index
      %get3A_606 = tpu.vector_load %arg6[%get3A_604, %get3A_605] {strides = array<i32>} : memref<8x10112xf32, #tpu.memory_space<vmem>>, vector<1x16xf32>,
      %get3A_607 = vector.shape_cast %get3A_606 : vector<1x16xf32> to vector<16xf32>
      %swap3A_608 = arith.constant 2 : i32
      %swap3A_609 = arith.index_cast %swap3A_608 : i32 to index
      %swap3A_610 = arith.constant 0 : index
      %swap3A_611 = tpu.vector_load %arg8[%swap3A_609, %swap3A_610] {strides = array<i32>} : memref<8x16xf32, #tpu.memory_space<vmem>>, vector<1x16xf32>,
      %swap3A_612 = vector.shape_cast %swap3A_611 : vector<1x16xf32> to vector<16xf32>
      %swap3A_613 = vector.shape_cast %get3A_607 : vector<16xf32> to vector<1x16xf32>
      tpu.vector_store %arg8[%swap3A_609, %swap3A_610], %swap3A_613 {strides = array<i32>} : memref<8x16xf32, #tpu.memory_space<vmem>>, vector<1x16xf32>,
      %get3A_614 = arith.constant 3 : i32
      %get3A_615 = arith.index_cast %get3A_614 : i32 to index
      %get3A_616 = arith.constant 9984 : index
      %get3A_617 = tpu.vector_load %arg6[%get3A_615, %get3A_616] {strides = array<i32>} : memref<8x10112xf32, #tpu.memory_space<vmem>>, vector<1x16xf32>,
      %get3A_618 = vector.shape_cast %get3A_617 : vector<1x16xf32> to vector<16xf32>
      %swap3A_619 = arith.constant 3 : i32
      %swap3A_620 = arith.index_cast %swap3A_619 : i32 to index
      %swap3A_621 = arith.constant 0 : index
      %swap3A_622 = tpu.vector_load %arg8[%swap3A_620, %swap3A_621] {strides = array<i32>} : memref<8x16xf32, #tpu.memory_space<vmem>>, vector<1x16xf32>,
      %swap3A_623 = vector.shape_cast %swap3A_622 : vector<1x16xf32> to vector<16xf32>
      %swap3A_624 = vector.shape_cast %get3A_618 : vector<16xf32> to vector<1x16xf32>
      tpu.vector_store %arg8[%swap3A_620, %swap3A_621], %swap3A_624 {strides = array<i32>} : memref<8x16xf32, #tpu.memory_space<vmem>>, vector<1x16xf32>,
      %get3A_625 = arith.constant 4 : i32
      %get3A_626 = arith.index_cast %get3A_625 : i32 to index
      %get3A_627 = arith.constant 9984 : index
      %get3A_628 = tpu.vector_load %arg6[%get3A_626, %get3A_627] {strides = array<i32>} : memref<8x10112xf32, #tpu.memory_space<vmem>>, vector<1x16xf32>,
      %get3A_629 = vector.shape_cast %get3A_628 : vector<1x16xf32> to vector<16xf32>
      %swap3A_630 = arith.constant 4 : i32
      %swap3A_631 = arith.index_cast %swap3A_630 : i32 to index
      %swap3A_632 = arith.constant 0 : index
      %swap3A_633 = tpu.vector_load %arg8[%swap3A_631, %swap3A_632] {strides = array<i32>} : memref<8x16xf32, #tpu.memory_space<vmem>>, vector<1x16xf32>,
      %swap3A_634 = vector.shape_cast %swap3A_633 : vector<1x16xf32> to vector<16xf32>
      %swap3A_635 = vector.shape_cast %get3A_629 : vector<16xf32> to vector<1x16xf32>
      tpu.vector_store %arg8[%swap3A_631, %swap3A_632], %swap3A_635 {strides = array<i32>} : memref<8x16xf32, #tpu.memory_space<vmem>>, vector<1x16xf32>,
      %get3A_636 = arith.constant 5 : i32
      %get3A_637 = arith.index_cast %get3A_636 : i32 to index
      %get3A_638 = arith.constant 9984 : index
      %get3A_639 = tpu.vector_load %arg6[%get3A_637, %get3A_638] {strides = array<i32>} : memref<8x10112xf32, #tpu.memory_space<vmem>>, vector<1x16xf32>,
      %get3A_640 = vector.shape_cast %get3A_639 : vector<1x16xf32> to vector<16xf32>
      %swap3A_641 = arith.constant 5 : i32
      %swap3A_642 = arith.index_cast %swap3A_641 : i32 to index
      %swap3A_643 = arith.constant 0 : index
      %swap3A_644 = tpu.vector_load %arg8[%swap3A_642, %swap3A_643] {strides = array<i32>} : memref<8x16xf32, #tpu.memory_space<vmem>>, vector<1x16xf32>,
      %swap3A_645 = vector.shape_cast %swap3A_644 : vector<1x16xf32> to vector<16xf32>
      %swap3A_646 = vector.shape_cast %get3A_640 : vector<16xf32> to vector<1x16xf32>
      tpu.vector_store %arg8[%swap3A_642, %swap3A_643], %swap3A_646 {strides = array<i32>} : memref<8x16xf32, #tpu.memory_space<vmem>>, vector<1x16xf32>,
      %get3A_647 = arith.constant 6 : i32
      %get3A_648 = arith.index_cast %get3A_647 : i32 to index
      %get3A_649 = arith.constant 9984 : index
      %get3A_650 = tpu.vector_load %arg6[%get3A_648, %get3A_649] {strides = array<i32>} : memref<8x10112xf32, #tpu.memory_space<vmem>>, vector<1x16xf32>,
      %get3A_651 = vector.shape_cast %get3A_650 : vector<1x16xf32> to vector<16xf32>
      %swap3A_652 = arith.constant 6 : i32
      %swap3A_653 = arith.index_cast %swap3A_652 : i32 to index
      %swap3A_654 = arith.constant 0 : index
      %swap3A_655 = tpu.vector_load %arg8[%swap3A_653, %swap3A_654] {strides = array<i32>} : memref<8x16xf32, #tpu.memory_space<vmem>>, vector<1x16xf32>,
      %swap3A_656 = vector.shape_cast %swap3A_655 : vector<1x16xf32> to vector<16xf32>
      %swap3A_657 = vector.shape_cast %get3A_651 : vector<16xf32> to vector<1x16xf32>
      tpu.vector_store %arg8[%swap3A_653, %swap3A_654], %swap3A_657 {strides = array<i32>} : memref<8x16xf32, #tpu.memory_space<vmem>>, vector<1x16xf32>,
      %get3A_658 = arith.constant 7 : i32
      %get3A_659 = arith.index_cast %get3A_658 : i32 to index
      %get3A_660 = arith.constant 9984 : index
      %get3A_661 = tpu.vector_load %arg6[%get3A_659, %get3A_660] {strides = array<i32>} : memref<8x10112xf32, #tpu.memory_space<vmem>>, vector<1x16xf32>,
      %get3A_662 = vector.shape_cast %get3A_661 : vector<1x16xf32> to vector<16xf32>
      %swap3A_663 = arith.constant 7 : i32
      %swap3A_664 = arith.index_cast %swap3A_663 : i32 to index
      %swap3A_665 = arith.constant 0 : index
      %swap3A_666 = tpu.vector_load %arg8[%swap3A_664, %swap3A_665] {strides = array<i32>} : memref<8x16xf32, #tpu.memory_space<vmem>>, vector<1x16xf32>,
      %swap3A_667 = vector.shape_cast %swap3A_666 : vector<1x16xf32> to vector<16xf32>
      %swap3A_668 = vector.shape_cast %get3A_662 : vector<16xf32> to vector<1x16xf32>
      tpu.vector_store %arg8[%swap3A_664, %swap3A_665], %swap3A_668 {strides = array<i32>} : memref<8x16xf32, #tpu.memory_space<vmem>>, vector<1x16xf32>,
      %mul3A_669 = arith.constant 32 : i32
      %mul3A_670 = arith.muli %add3A, %mul3A_669 : i32
      %add3A_671 = arith.addi %mul3A_670, %scan3A_562 : i32
      %dma_start3A_672 = arith.constant 0 : i32
      %dma_start3A_673 = arith.constant 0 : i32
      %dma_start3A_674 = tpu.memref_slice %arg6[%dma_start3A_672, %dma_start3A_673] : memref<8x10112xf32, #tpu.memory_space<vmem>> -> memref<8x9984xf32, #tpu.memory_space<vmem>>
      %dma_start3A_675 = arith.constant 0 : i32
      %dma_start3A_676 = arith.constant 0 : i32
      %dma_start3A_677 = tpu.memref_slice %arg4[%add3A_671, %dma_start3A_675, %dma_start3A_676] : memref<1024x12x10000xf32, #tpu.memory_space<hbm>> -> memref<1x8x9984xf32, #tpu.memory_space<hbm>>
      %dma_start3A_678 = tpu.memref_squeeze %dma_start3A_677 : memref<1x8x9984xf32, #tpu.memory_space<hbm>> -> memref<8x9984xf32, #tpu.memory_space<hbm>>
      %dma_start3A_679 = arith.constant 0 : i32
      %dma_start3A_680 = arith.constant 0 : i32
      %dma_start3A_681 = tpu.memref_slice %arg4[%add3A_671, %dma_start3A_679, %dma_start3A_680] : memref<1024x12x10000xf32, #tpu.memory_space<hbm>> -> memref<1x8x9984xf32, #tpu.memory_space<hbm>>
      %dma_start3A_682 = tpu.memref_squeeze %dma_start3A_681 : memref<1x8x9984xf32, #tpu.memory_space<hbm>> -> memref<8x9984xf32, #tpu.memory_space<hbm>>
      %dma_start3A_683 = arith.constant 0 : i32
      %dma_start3A_684 = arith.constant 0 : i32
      %dma_start3A_685 = tpu.memref_slice %arg6[%dma_start3A_683, %dma_start3A_684] : memref<8x10112xf32, #tpu.memory_space<vmem>> -> memref<8x9984xf32, #tpu.memory_space<vmem>>
      tpu.enqueue_dma source(%dma_start3A_685 : memref<8x9984xf32, #tpu.memory_space<vmem>>) target(%dma_start3A_682 : memref<8x9984xf32, #tpu.memory_space<hbm>>) target_semaphore(%arg12 : memref<!tpu.dma_semaphore, #tpu.memory_space<semaphore_mem>>)
      %mul3A_686 = arith.constant 32 : i32
      %mul3A_687 = arith.muli %add3A, %mul3A_686 : i32
      %add3A_688 = arith.addi %mul3A_687, %scan3A_562 : i32
      %dma_start3A_689 = arith.constant 0 : i32
      %dma_start3A_690 = arith.constant 9984 : i32
      %dma_start3A_691 = tpu.memref_slice %arg4[%add3A_688, %dma_start3A_689, %dma_start3A_690] : memref<1024x12x10000xf32, #tpu.memory_space<hbm>> -> memref<1x8x16xf32, #tpu.memory_space<hbm>>
      %dma_start3A_692 = tpu.memref_squeeze %dma_start3A_691 : memref<1x8x16xf32, #tpu.memory_space<hbm>> -> memref<8x16xf32, #tpu.memory_space<hbm>>
      %dma_start3A_693 = arith.constant 0 : i32
      %dma_start3A_694 = arith.constant 9984 : i32
      %dma_start3A_695 = tpu.memref_slice %arg4[%add3A_688, %dma_start3A_693, %dma_start3A_694] : memref<1024x12x10000xf32, #tpu.memory_space<hbm>> -> memref<1x8x16xf32, #tpu.memory_space<hbm>>
      %dma_start3A_696 = tpu.memref_squeeze %dma_start3A_695 : memref<1x8x16xf32, #tpu.memory_space<hbm>> -> memref<8x16xf32, #tpu.memory_space<hbm>>
      tpu.enqueue_dma source(%arg8 : memref<8x16xf32, #tpu.memory_space<vmem>>) target(%dma_start3A_696 : memref<8x16xf32, #tpu.memory_space<hbm>>) target_semaphore(%arg14 : memref<!tpu.dma_semaphore, #tpu.memory_space<semaphore_mem>>)
      %dma_wait3A_697 = arith.constant 8 : i32
      %dma_wait3A_698 = tpu.memref_slice %arg5[%scan3A_562, %dma_wait3A_697] : memref<32x12xi32, #tpu.memory_space<vmem>> -> memref<1x4xi32, #tpu.memory_space<vmem>>
      %dma_wait3A_699 = tpu.memref_squeeze %dma_wait3A_698 : memref<1x4xi32, #tpu.memory_space<vmem>> -> memref<4xi32, #tpu.memory_space<vmem>>
      %dma_wait3A_700 = arith.constant 0 : i32
      %dma_wait3A_701 = arith.constant 0 : i32
      %dma_wait3A_702 = tpu.memref_slice %arg3[%dma_wait3A_700, %dma_wait3A_701] : memref<288x10112xf32, #tpu.memory_space<hbm>> -> memref<288x10112xf32, #tpu.memory_space<hbm>>
      tpu.wait_indirect_dma semaphore(%arg11 : memref<!tpu.dma_semaphore, #tpu.memory_space<semaphore_mem>>) src(%dma_wait3A_702 : memref<288x10112xf32, #tpu.memory_space<hbm>>) dst(%arg7 : memref<4x10112xf32, #tpu.memory_space<vmem>>)
      %sub3A_703 = arith.constant 1 : i32
      %sub3A_704 = arith.subi %scan3A_562, %sub3A_703 : i32
      %mul3A_705 = arith.constant 32 : i32
      %mul3A_706 = arith.muli %add3A, %mul3A_705 : i32
      %add3A_707 = arith.addi %mul3A_706, %sub3A_704 : i32
      %dma_wait3A_708 = arith.constant 8 : i32
      %dma_wait3A_709 = arith.constant 9984 : i32
      %dma_wait3A_710 = tpu.memref_slice %arg4[%add3A_707, %dma_wait3A_708, %dma_wait3A_709] : memref<1024x12x10000xf32, #tpu.memory_space<hbm>> -> memref<1x4x16xf32, #tpu.memory_space<hbm>>
      %dma_wait3A_711 = tpu.memref_squeeze %dma_wait3A_710 : memref<1x4x16xf32, #tpu.memory_space<hbm>> -> memref<4x16xf32, #tpu.memory_space<hbm>>
      %dma_wait3A_712 = arith.constant 8 : i32
      %dma_wait3A_713 = arith.constant 9984 : i32
      %dma_wait3A_714 = tpu.memref_slice %arg4[%add3A_707, %dma_wait3A_712, %dma_wait3A_713] : memref<1024x12x10000xf32, #tpu.memory_space<hbm>> -> memref<1x4x16xf32, #tpu.memory_space<hbm>>
      %dma_wait3A_715 = tpu.memref_squeeze %dma_wait3A_714 : memref<1x4x16xf32, #tpu.memory_space<hbm>> -> memref<4x16xf32, #tpu.memory_space<hbm>>
      tpu.wait_dma2 semaphore(%arg15 : memref<!tpu.dma_semaphore, #tpu.memory_space<semaphore_mem>>) src(%arg9 : memref<4x16xf32, #tpu.memory_space<vmem>>) dst(%dma_wait3A_715 : memref<4x16xf32, #tpu.memory_space<hbm>>)
      %get3A_716 = arith.constant 0 : i32
      %get3A_717 = arith.index_cast %get3A_716 : i32 to index
      %get3A_718 = arith.constant 9984 : index
      %get3A_719 = tpu.vector_load %arg7[%get3A_717, %get3A_718] {strides = array<i32>} : memref<4x10112xf32, #tpu.memory_space<vmem>>, vector<1x16xf32>,
      %get3A_720 = vector.shape_cast %get3A_719 : vector<1x16xf32> to vector<16xf32>
      %swap3A_721 = arith.constant 0 : i32
      %swap3A_722 = arith.index_cast %swap3A_721 : i32 to index
      %swap3A_723 = arith.constant 0 : index
      %swap3A_724 = tpu.vector_load %arg9[%swap3A_722, %swap3A_723] {strides = array<i32>} : memref<4x16xf32, #tpu.memory_space<vmem>>, vector<1x16xf32>,
      %swap3A_725 = vector.shape_cast %swap3A_724 : vector<1x16xf32> to vector<16xf32>
      %swap3A_726 = vector.shape_cast %get3A_720 : vector<16xf32> to vector<1x16xf32>
      tpu.vector_store %arg9[%swap3A_722, %swap3A_723], %swap3A_726 {strides = array<i32>} : memref<4x16xf32, #tpu.memory_space<vmem>>, vector<1x16xf32>,
      %get3A_727 = arith.constant 1 : i32
      %get3A_728 = arith.index_cast %get3A_727 : i32 to index
      %get3A_729 = arith.constant 9984 : index
      %get3A_730 = tpu.vector_load %arg7[%get3A_728, %get3A_729] {strides = array<i32>} : memref<4x10112xf32, #tpu.memory_space<vmem>>, vector<1x16xf32>,
      %get3A_731 = vector.shape_cast %get3A_730 : vector<1x16xf32> to vector<16xf32>
      %swap3A_732 = arith.constant 1 : i32
      %swap3A_733 = arith.index_cast %swap3A_732 : i32 to index
      %swap3A_734 = arith.constant 0 : index
      %swap3A_735 = tpu.vector_load %arg9[%swap3A_733, %swap3A_734] {strides = array<i32>} : memref<4x16xf32, #tpu.memory_space<vmem>>, vector<1x16xf32>,
      %swap3A_736 = vector.shape_cast %swap3A_735 : vector<1x16xf32> to vector<16xf32>
      %swap3A_737 = vector.shape_cast %get3A_731 : vector<16xf32> to vector<1x16xf32>
      tpu.vector_store %arg9[%swap3A_733, %swap3A_734], %swap3A_737 {strides = array<i32>} : memref<4x16xf32, #tpu.memory_space<vmem>>, vector<1x16xf32>,
      %get3A_738 = arith.constant 2 : i32
      %get3A_739 = arith.index_cast %get3A_738 : i32 to index
      %get3A_740 = arith.constant 9984 : index
      %get3A_741 = tpu.vector_load %arg7[%get3A_739, %get3A_740] {strides = array<i32>} : memref<4x10112xf32, #tpu.memory_space<vmem>>, vector<1x16xf32>,
      %get3A_742 = vector.shape_cast %get3A_741 : vector<1x16xf32> to vector<16xf32>
      %swap3A_743 = arith.constant 2 : i32
      %swap3A_744 = arith.index_cast %swap3A_743 : i32 to index
      %swap3A_745 = arith.constant 0 : index
      %swap3A_746 = tpu.vector_load %arg9[%swap3A_744, %swap3A_745] {strides = array<i32>} : memref<4x16xf32, #tpu.memory_space<vmem>>, vector<1x16xf32>,
      %swap3A_747 = vector.shape_cast %swap3A_746 : vector<1x16xf32> to vector<16xf32>
      %swap3A_748 = vector.shape_cast %get3A_742 : vector<16xf32> to vector<1x16xf32>
      tpu.vector_store %arg9[%swap3A_744, %swap3A_745], %swap3A_748 {strides = array<i32>} : memref<4x16xf32, #tpu.memory_space<vmem>>, vector<1x16xf32>,
      %get3A_749 = arith.constant 3 : i32
      %get3A_750 = arith.index_cast %get3A_749 : i32 to index
      %get3A_751 = arith.constant 9984 : index
      %get3A_752 = tpu.vector_load %arg7[%get3A_750, %get3A_751] {strides = array<i32>} : memref<4x10112xf32, #tpu.memory_space<vmem>>, vector<1x16xf32>,
      %get3A_753 = vector.shape_cast %get3A_752 : vector<1x16xf32> to vector<16xf32>
      %swap3A_754 = arith.constant 3 : i32
      %swap3A_755 = arith.index_cast %swap3A_754 : i32 to index
      %swap3A_756 = arith.constant 0 : index
      %swap3A_757 = tpu.vector_load %arg9[%swap3A_755, %swap3A_756] {strides = array<i32>} : memref<4x16xf32, #tpu.memory_space<vmem>>, vector<1x16xf32>,
      %swap3A_758 = vector.shape_cast %swap3A_757 : vector<1x16xf32> to vector<16xf32>
      %swap3A_759 = vector.shape_cast %get3A_753 : vector<16xf32> to vector<1x16xf32>
      tpu.vector_store %arg9[%swap3A_755, %swap3A_756], %swap3A_759 {strides = array<i32>} : memref<4x16xf32, #tpu.memory_space<vmem>>, vector<1x16xf32>,
      %mul3A_760 = arith.constant 32 : i32
      %mul3A_761 = arith.muli %add3A, %mul3A_760 : i32
      %add3A_762 = arith.addi %mul3A_761, %scan3A_562 : i32
      %dma_start3A_763 = arith.constant 0 : i32
      %dma_start3A_764 = arith.constant 0 : i32
      %dma_start3A_765 = tpu.memref_slice %arg7[%dma_start3A_763, %dma_start3A_764] : memref<4x10112xf32, #tpu.memory_space<vmem>> -> memref<4x9984xf32, #tpu.memory_space<vmem>>
      %dma_start3A_766 = arith.constant 8 : i32
      %dma_start3A_767 = arith.constant 0 : i32
      %dma_start3A_768 = tpu.memref_slice %arg4[%add3A_762, %dma_start3A_766, %dma_start3A_767] : memref<1024x12x10000xf32, #tpu.memory_space<hbm>> -> memref<1x4x9984xf32, #tpu.memory_space<hbm>>
      %dma_start3A_769 = tpu.memref_squeeze %dma_start3A_768 : memref<1x4x9984xf32, #tpu.memory_space<hbm>> -> memref<4x9984xf32, #tpu.memory_space<hbm>>
      %dma_start3A_770 = arith.constant 8 : i32
      %dma_start3A_771 = arith.constant 0 : i32
      %dma_start3A_772 = tpu.memref_slice %arg4[%add3A_762, %dma_start3A_770, %dma_start3A_771] : memref<1024x12x10000xf32, #tpu.memory_space<hbm>> -> memref<1x4x9984xf32, #tpu.memory_space<hbm>>
      %dma_start3A_773 = tpu.memref_squeeze %dma_start3A_772 : memref<1x4x9984xf32, #tpu.memory_space<hbm>> -> memref<4x9984xf32, #tpu.memory_space<hbm>>
      %dma_start3A_774 = arith.constant 0 : i32
      %dma_start3A_775 = arith.constant 0 : i32
      %dma_start3A_776 = tpu.memref_slice %arg7[%dma_start3A_774, %dma_start3A_775] : memref<4x10112xf32, #tpu.memory_space<vmem>> -> memref<4x9984xf32, #tpu.memory_space<vmem>>
      tpu.enqueue_dma source(%dma_start3A_776 : memref<4x9984xf32, #tpu.memory_space<vmem>>) target(%dma_start3A_773 : memref<4x9984xf32, #tpu.memory_space<hbm>>) target_semaphore(%arg13 : memref<!tpu.dma_semaphore, #tpu.memory_space<semaphore_mem>>)
      %mul3A_777 = arith.constant 32 : i32
      %mul3A_778 = arith.muli %add3A, %mul3A_777 : i32
      %add3A_779 = arith.addi %mul3A_778, %scan3A_562 : i32
      %dma_start3A_780 = arith.constant 8 : i32
      %dma_start3A_781 = arith.constant 9984 : i32
      %dma_start3A_782 = tpu.memref_slice %arg4[%add3A_779, %dma_start3A_780, %dma_start3A_781] : memref<1024x12x10000xf32, #tpu.memory_space<hbm>> -> memref<1x4x16xf32, #tpu.memory_space<hbm>>
      %dma_start3A_783 = tpu.memref_squeeze %dma_start3A_782 : memref<1x4x16xf32, #tpu.memory_space<hbm>> -> memref<4x16xf32, #tpu.memory_space<hbm>>
      %dma_start3A_784 = arith.constant 8 : i32
      %dma_start3A_785 = arith.constant 9984 : i32
      %dma_start3A_786 = tpu.memref_slice %arg4[%add3A_779, %dma_start3A_784, %dma_start3A_785] : memref<1024x12x10000xf32, #tpu.memory_space<hbm>> -> memref<1x4x16xf32, #tpu.memory_space<hbm>>
      %dma_start3A_787 = tpu.memref_squeeze %dma_start3A_786 : memref<1x4x16xf32, #tpu.memory_space<hbm>> -> memref<4x16xf32, #tpu.memory_space<hbm>>
      tpu.enqueue_dma source(%arg9 : memref<4x16xf32, #tpu.memory_space<vmem>>) target(%dma_start3A_787 : memref<4x16xf32, #tpu.memory_space<hbm>>) target_semaphore(%arg15 : memref<!tpu.dma_semaphore, #tpu.memory_space<semaphore_mem>>)
      %mul3A_788 = arith.constant 32 : i32
      %mul3A_789 = arith.muli %add3A, %mul3A_788 : i32
      %add3A_790 = arith.addi %mul3A_789, %scan3A_562 : i32
      %dma_wait3A_791 = arith.constant 0 : i32
      %dma_wait3A_792 = arith.constant 0 : i32
      %dma_wait3A_793 = tpu.memref_slice %arg6[%dma_wait3A_791, %dma_wait3A_792] : memref<8x10112xf32, #tpu.memory_space<vmem>> -> memref<8x9984xf32, #tpu.memory_space<vmem>>
      %dma_wait3A_794 = arith.constant 0 : i32
      %dma_wait3A_795 = arith.constant 0 : i32
      %dma_wait3A_796 = tpu.memref_slice %arg4[%add3A_790, %dma_wait3A_794, %dma_wait3A_795] : memref<1024x12x10000xf32, #tpu.memory_space<hbm>> -> memref<1x8x9984xf32, #tpu.memory_space<hbm>>
      %dma_wait3A_797 = tpu.memref_squeeze %dma_wait3A_796 : memref<1x8x9984xf32, #tpu.memory_space<hbm>> -> memref<8x9984xf32, #tpu.memory_space<hbm>>
      %dma_wait3A_798 = arith.constant 0 : i32
      %dma_wait3A_799 = arith.constant 0 : i32
      %dma_wait3A_800 = tpu.memref_slice %arg4[%add3A_790, %dma_wait3A_798, %dma_wait3A_799] : memref<1024x12x10000xf32, #tpu.memory_space<hbm>> -> memref<1x8x9984xf32, #tpu.memory_space<hbm>>
      %dma_wait3A_801 = tpu.memref_squeeze %dma_wait3A_800 : memref<1x8x9984xf32, #tpu.memory_space<hbm>> -> memref<8x9984xf32, #tpu.memory_space<hbm>>
      %dma_wait3A_802 = arith.constant 0 : i32
      %dma_wait3A_803 = arith.constant 0 : i32
      %dma_wait3A_804 = tpu.memref_slice %arg6[%dma_wait3A_802, %dma_wait3A_803] : memref<8x10112xf32, #tpu.memory_space<vmem>> -> memref<8x9984xf32, #tpu.memory_space<vmem>>
      tpu.wait_dma2 semaphore(%arg12 : memref<!tpu.dma_semaphore, #tpu.memory_space<semaphore_mem>>) src(%dma_wait3A_804 : memref<8x9984xf32, #tpu.memory_space<vmem>>) dst(%dma_wait3A_801 : memref<8x9984xf32, #tpu.memory_space<hbm>>)
      %add3A_805 = arith.constant 1 : i32
      %add3A_806 = arith.addi %scan3A_562, %add3A_805 : i32
      %dma_start3A_807 = arith.constant 0 : i32
      %dma_start3A_808 = tpu.memref_slice %arg5[%add3A_806, %dma_start3A_807] : memref<32x12xi32, #tpu.memory_space<vmem>> -> memref<1x8xi32, #tpu.memory_space<vmem>>
      %dma_start3A_809 = tpu.memref_squeeze %dma_start3A_808 : memref<1x8xi32, #tpu.memory_space<vmem>> -> memref<8xi32, #tpu.memory_space<vmem>>
      %dma_start3A_810 = arith.constant 0 : i32
      %dma_start3A_811 = arith.constant 0 : i32
      %dma_start3A_812 = tpu.memref_slice %arg3[%dma_start3A_810, %dma_start3A_811] : memref<288x10112xf32, #tpu.memory_space<hbm>> -> memref<288x10112xf32, #tpu.memory_space<hbm>>
      tpu.enqueue_indirect_dma source(%dma_start3A_812 : memref<288x10112xf32, #tpu.memory_space<hbm>>) target(%arg6 : memref<8x10112xf32, #tpu.memory_space<vmem>>) offsets(%dma_start3A_809 : memref<8xi32, #tpu.memory_space<vmem>>) semaphore(%arg10 : memref<!tpu.dma_semaphore, #tpu.memory_space<semaphore_mem>>)
      %mul3A_813 = arith.constant 32 : i32
      %mul3A_814 = arith.muli %add3A, %mul3A_813 : i32
      %add3A_815 = arith.addi %mul3A_814, %scan3A_562 : i32
      %dma_wait3A_816 = arith.constant 0 : i32
      %dma_wait3A_817 = arith.constant 0 : i32
      %dma_wait3A_818 = tpu.memref_slice %arg7[%dma_wait3A_816, %dma_wait3A_817] : memref<4x10112xf32, #tpu.memory_space<vmem>> -> memref<4x9984xf32, #tpu.memory_space<vmem>>
      %dma_wait3A_819 = arith.constant 8 : i32
      %dma_wait3A_820 = arith.constant 0 : i32
      %dma_wait3A_821 = tpu.memref_slice %arg4[%add3A_815, %dma_wait3A_819, %dma_wait3A_820] : memref<1024x12x10000xf32, #tpu.memory_space<hbm>> -> memref<1x4x9984xf32, #tpu.memory_space<hbm>>
      %dma_wait3A_822 = tpu.memref_squeeze %dma_wait3A_821 : memref<1x4x9984xf32, #tpu.memory_space<hbm>> -> memref<4x9984xf32, #tpu.memory_space<hbm>>
      %dma_wait3A_823 = arith.constant 8 : i32
      %dma_wait3A_824 = arith.constant 0 : i32
      %dma_wait3A_825 = tpu.memref_slice %arg4[%add3A_815, %dma_wait3A_823, %dma_wait3A_824] : memref<1024x12x10000xf32, #tpu.memory_space<hbm>> -> memref<1x4x9984xf32, #tpu.memory_space<hbm>>
      %dma_wait3A_826 = tpu.memref_squeeze %dma_wait3A_825 : memref<1x4x9984xf32, #tpu.memory_space<hbm>> -> memref<4x9984xf32, #tpu.memory_space<hbm>>
      %dma_wait3A_827 = arith.constant 0 : i32
      %dma_wait3A_828 = arith.constant 0 : i32
      %dma_wait3A_829 = tpu.memref_slice %arg7[%dma_wait3A_827, %dma_wait3A_828] : memref<4x10112xf32, #tpu.memory_space<vmem>> -> memref<4x9984xf32, #tpu.memory_space<vmem>>
      tpu.wait_dma2 semaphore(%arg13 : memref<!tpu.dma_semaphore, #tpu.memory_space<semaphore_mem>>) src(%dma_wait3A_829 : memref<4x9984xf32, #tpu.memory_space<vmem>>) dst(%dma_wait3A_826 : memref<4x9984xf32, #tpu.memory_space<hbm>>)
      %add3A_830 = arith.constant 1 : i32
      %add3A_831 = arith.addi %scan3A_562, %add3A_830 : i32
      %dma_start3A_832 = arith.constant 8 : i32
      %dma_start3A_833 = tpu.memref_slice %arg5[%add3A_831, %dma_start3A_832] : memref<32x12xi32, #tpu.memory_space<vmem>> -> memref<1x4xi32, #tpu.memory_space<vmem>>
      %dma_start3A_834 = tpu.memref_squeeze %dma_start3A_833 : memref<1x4xi32, #tpu.memory_space<vmem>> -> memref<4xi32, #tpu.memory_space<vmem>>
      %dma_start3A_835 = arith.constant 0 : i32
      %dma_start3A_836 = arith.constant 0 : i32
      %dma_start3A_837 = tpu.memref_slice %arg3[%dma_start3A_835, %dma_start3A_836] : memref<288x10112xf32, #tpu.memory_space<hbm>> -> memref<288x10112xf32, #tpu.memory_space<hbm>>
      tpu.enqueue_indirect_dma source(%dma_start3A_837 : memref<288x10112xf32, #tpu.memory_space<hbm>>) target(%arg7 : memref<4x10112xf32, #tpu.memory_space<vmem>>) offsets(%dma_start3A_834 : memref<4xi32, #tpu.memory_space<vmem>>) semaphore(%arg11 : memref<!tpu.dma_semaphore, #tpu.memory_space<semaphore_mem>>)
    }
    %scan3A_271 = arith.constant 30 : i32
    %dma_wait3A_272 = arith.constant 31 : i32
    %dma_wait3A_273 = arith.constant 0 : i32
    %dma_wait3A_274 = tpu.memref_slice %arg5[%dma_wait3A_272, %dma_wait3A_273] : memref<32x12xi32, #tpu.memory_space<vmem>> -> memref<1x8xi32, #tpu.memory_space<vmem>>
    %dma_wait3A_275 = tpu.memref_squeeze %dma_wait3A_274 : memref<1x8xi32, #tpu.memory_space<vmem>> -> memref<8xi32, #tpu.memory_space<vmem>>
    %dma_wait3A_276 = arith.constant 0 : i32
    %dma_wait3A_277 = arith.constant 0 : i32
    %dma_wait3A_278 = tpu.memref_slice %arg3[%dma_wait3A_276, %dma_wait3A_277] : memref<288x10112xf32, #tpu.memory_space<hbm>> -> memref<288x10112xf32, #tpu.memory_space<hbm>>
    tpu.wait_indirect_dma semaphore(%arg10 : memref<!tpu.dma_semaphore, #tpu.memory_space<semaphore_mem>>) src(%dma_wait3A_278 : memref<288x10112xf32, #tpu.memory_space<hbm>>) dst(%arg6 : memref<8x10112xf32, #tpu.memory_space<vmem>>)
    %mul3A_279 = arith.constant 32 : i32
    %mul3A_280 = arith.muli %add3A, %mul3A_279 : i32
    %add3A_281 = arith.constant 30 : i32
    %add3A_282 = arith.addi %mul3A_280, %add3A_281 : i32
    %dma_wait3A_283 = arith.constant 0 : i32
    %dma_wait3A_284 = arith.constant 9984 : i32
    %dma_wait3A_285 = tpu.memref_slice %arg4[%add3A_282, %dma_wait3A_283, %dma_wait3A_284] : memref<1024x12x10000xf32, #tpu.memory_space<hbm>> -> memref<1x8x16xf32, #tpu.memory_space<hbm>>
    %dma_wait3A_286 = tpu.memref_squeeze %dma_wait3A_285 : memref<1x8x16xf32, #tpu.memory_space<hbm>> -> memref<8x16xf32, #tpu.memory_space<hbm>>
    %dma_wait3A_287 = arith.constant 0 : i32
    %dma_wait3A_288 = arith.constant 9984 : i32
    %dma_wait3A_289 = tpu.memref_slice %arg4[%add3A_282, %dma_wait3A_287, %dma_wait3A_288] : memref<1024x12x10000xf32, #tpu.memory_space<hbm>> -> memref<1x8x16xf32, #tpu.memory_space<hbm>>
    %dma_wait3A_290 = tpu.memref_squeeze %dma_wait3A_289 : memref<1x8x16xf32, #tpu.memory_space<hbm>> -> memref<8x16xf32, #tpu.memory_space<hbm>>
    tpu.wait_dma2 semaphore(%arg14 : memref<!tpu.dma_semaphore, #tpu.memory_space<semaphore_mem>>) src(%arg8 : memref<8x16xf32, #tpu.memory_space<vmem>>) dst(%dma_wait3A_290 : memref<8x16xf32, #tpu.memory_space<hbm>>)
    %get3A_291 = arith.constant 0 : i32
    %get3A_292 = arith.index_cast %get3A_291 : i32 to index
    %get3A_293 = arith.constant 9984 : index
    %get3A_294 = tpu.vector_load %arg6[%get3A_292, %get3A_293] {strides = array<i32>} : memref<8x10112xf32, #tpu.memory_space<vmem>>, vector<1x16xf32>,
    %get3A_295 = vector.shape_cast %get3A_294 : vector<1x16xf32> to vector<16xf32>
    %swap3A_296 = arith.constant 0 : i32
    %swap3A_297 = arith.index_cast %swap3A_296 : i32 to index
    %swap3A_298 = arith.constant 0 : index
    %swap3A_299 = tpu.vector_load %arg8[%swap3A_297, %swap3A_298] {strides = array<i32>} : memref<8x16xf32, #tpu.memory_space<vmem>>, vector<1x16xf32>,
    %swap3A_300 = vector.shape_cast %swap3A_299 : vector<1x16xf32> to vector<16xf32>
    %swap3A_301 = vector.shape_cast %get3A_295 : vector<16xf32> to vector<1x16xf32>
    tpu.vector_store %arg8[%swap3A_297, %swap3A_298], %swap3A_301 {strides = array<i32>} : memref<8x16xf32, #tpu.memory_space<vmem>>, vector<1x16xf32>,
    %get3A_302 = arith.constant 1 : i32
    %get3A_303 = arith.index_cast %get3A_302 : i32 to index
    %get3A_304 = arith.constant 9984 : index
    %get3A_305 = tpu.vector_load %arg6[%get3A_303, %get3A_304] {strides = array<i32>} : memref<8x10112xf32, #tpu.memory_space<vmem>>, vector<1x16xf32>,
    %get3A_306 = vector.shape_cast %get3A_305 : vector<1x16xf32> to vector<16xf32>
    %swap3A_307 = arith.constant 1 : i32
    %swap3A_308 = arith.index_cast %swap3A_307 : i32 to index
    %swap3A_309 = arith.constant 0 : index
    %swap3A_310 = tpu.vector_load %arg8[%swap3A_308, %swap3A_309] {strides = array<i32>} : memref<8x16xf32, #tpu.memory_space<vmem>>, vector<1x16xf32>,
    %swap3A_311 = vector.shape_cast %swap3A_310 : vector<1x16xf32> to vector<16xf32>
    %swap3A_312 = vector.shape_cast %get3A_306 : vector<16xf32> to vector<1x16xf32>
    tpu.vector_store %arg8[%swap3A_308, %swap3A_309], %swap3A_312 {strides = array<i32>} : memref<8x16xf32, #tpu.memory_space<vmem>>, vector<1x16xf32>,
    %get3A_313 = arith.constant 2 : i32
    %get3A_314 = arith.index_cast %get3A_313 : i32 to index
    %get3A_315 = arith.constant 9984 : index
    %get3A_316 = tpu.vector_load %arg6[%get3A_314, %get3A_315] {strides = array<i32>} : memref<8x10112xf32, #tpu.memory_space<vmem>>, vector<1x16xf32>,
    %get3A_317 = vector.shape_cast %get3A_316 : vector<1x16xf32> to vector<16xf32>
    %swap3A_318 = arith.constant 2 : i32
    %swap3A_319 = arith.index_cast %swap3A_318 : i32 to index
    %swap3A_320 = arith.constant 0 : index
    %swap3A_321 = tpu.vector_load %arg8[%swap3A_319, %swap3A_320] {strides = array<i32>} : memref<8x16xf32, #tpu.memory_space<vmem>>, vector<1x16xf32>,
    %swap3A_322 = vector.shape_cast %swap3A_321 : vector<1x16xf32> to vector<16xf32>
    %swap3A_323 = vector.shape_cast %get3A_317 : vector<16xf32> to vector<1x16xf32>
    tpu.vector_store %arg8[%swap3A_319, %swap3A_320], %swap3A_323 {strides = array<i32>} : memref<8x16xf32, #tpu.memory_space<vmem>>, vector<1x16xf32>,
    %get3A_324 = arith.constant 3 : i32
    %get3A_325 = arith.index_cast %get3A_324 : i32 to index
    %get3A_326 = arith.constant 9984 : index
    %get3A_327 = tpu.vector_load %arg6[%get3A_325, %get3A_326] {strides = array<i32>} : memref<8x10112xf32, #tpu.memory_space<vmem>>, vector<1x16xf32>,
    %get3A_328 = vector.shape_cast %get3A_327 : vector<1x16xf32> to vector<16xf32>
    %swap3A_329 = arith.constant 3 : i32
    %swap3A_330 = arith.index_cast %swap3A_329 : i32 to index
    %swap3A_331 = arith.constant 0 : index
    %swap3A_332 = tpu.vector_load %arg8[%swap3A_330, %swap3A_331] {strides = array<i32>} : memref<8x16xf32, #tpu.memory_space<vmem>>, vector<1x16xf32>,
    %swap3A_333 = vector.shape_cast %swap3A_332 : vector<1x16xf32> to vector<16xf32>
    %swap3A_334 = vector.shape_cast %get3A_328 : vector<16xf32> to vector<1x16xf32>
    tpu.vector_store %arg8[%swap3A_330, %swap3A_331], %swap3A_334 {strides = array<i32>} : memref<8x16xf32, #tpu.memory_space<vmem>>, vector<1x16xf32>,
    %get3A_335 = arith.constant 4 : i32
    %get3A_336 = arith.index_cast %get3A_335 : i32 to index
    %get3A_337 = arith.constant 9984 : index
    %get3A_338 = tpu.vector_load %arg6[%get3A_336, %get3A_337] {strides = array<i32>} : memref<8x10112xf32, #tpu.memory_space<vmem>>, vector<1x16xf32>,
    %get3A_339 = vector.shape_cast %get3A_338 : vector<1x16xf32> to vector<16xf32>
    %swap3A_340 = arith.constant 4 : i32
    %swap3A_341 = arith.index_cast %swap3A_340 : i32 to index
    %swap3A_342 = arith.constant 0 : index
    %swap3A_343 = tpu.vector_load %arg8[%swap3A_341, %swap3A_342] {strides = array<i32>} : memref<8x16xf32, #tpu.memory_space<vmem>>, vector<1x16xf32>,
    %swap3A_344 = vector.shape_cast %swap3A_343 : vector<1x16xf32> to vector<16xf32>
    %swap3A_345 = vector.shape_cast %get3A_339 : vector<16xf32> to vector<1x16xf32>
    tpu.vector_store %arg8[%swap3A_341, %swap3A_342], %swap3A_345 {strides = array<i32>} : memref<8x16xf32, #tpu.memory_space<vmem>>, vector<1x16xf32>,
    %get3A_346 = arith.constant 5 : i32
    %get3A_347 = arith.index_cast %get3A_346 : i32 to index
    %get3A_348 = arith.constant 9984 : index
    %get3A_349 = tpu.vector_load %arg6[%get3A_347, %get3A_348] {strides = array<i32>} : memref<8x10112xf32, #tpu.memory_space<vmem>>, vector<1x16xf32>,
    %get3A_350 = vector.shape_cast %get3A_349 : vector<1x16xf32> to vector<16xf32>
    %swap3A_351 = arith.constant 5 : i32
    %swap3A_352 = arith.index_cast %swap3A_351 : i32 to index
    %swap3A_353 = arith.constant 0 : index
    %swap3A_354 = tpu.vector_load %arg8[%swap3A_352, %swap3A_353] {strides = array<i32>} : memref<8x16xf32, #tpu.memory_space<vmem>>, vector<1x16xf32>,
    %swap3A_355 = vector.shape_cast %swap3A_354 : vector<1x16xf32> to vector<16xf32>
    %swap3A_356 = vector.shape_cast %get3A_350 : vector<16xf32> to vector<1x16xf32>
    tpu.vector_store %arg8[%swap3A_352, %swap3A_353], %swap3A_356 {strides = array<i32>} : memref<8x16xf32, #tpu.memory_space<vmem>>, vector<1x16xf32>,
    %get3A_357 = arith.constant 6 : i32
    %get3A_358 = arith.index_cast %get3A_357 : i32 to index
    %get3A_359 = arith.constant 9984 : index
    %get3A_360 = tpu.vector_load %arg6[%get3A_358, %get3A_359] {strides = array<i32>} : memref<8x10112xf32, #tpu.memory_space<vmem>>, vector<1x16xf32>,
    %get3A_361 = vector.shape_cast %get3A_360 : vector<1x16xf32> to vector<16xf32>
    %swap3A_362 = arith.constant 6 : i32
    %swap3A_363 = arith.index_cast %swap3A_362 : i32 to index
    %swap3A_364 = arith.constant 0 : index
    %swap3A_365 = tpu.vector_load %arg8[%swap3A_363, %swap3A_364] {strides = array<i32>} : memref<8x16xf32, #tpu.memory_space<vmem>>, vector<1x16xf32>,
    %swap3A_366 = vector.shape_cast %swap3A_365 : vector<1x16xf32> to vector<16xf32>
    %swap3A_367 = vector.shape_cast %get3A_361 : vector<16xf32> to vector<1x16xf32>
    tpu.vector_store %arg8[%swap3A_363, %swap3A_364], %swap3A_367 {strides = array<i32>} : memref<8x16xf32, #tpu.memory_space<vmem>>, vector<1x16xf32>,
    %get3A_368 = arith.constant 7 : i32
    %get3A_369 = arith.index_cast %get3A_368 : i32 to index
    %get3A_370 = arith.constant 9984 : index
    %get3A_371 = tpu.vector_load %arg6[%get3A_369, %get3A_370] {strides = array<i32>} : memref<8x10112xf32, #tpu.memory_space<vmem>>, vector<1x16xf32>,
    %get3A_372 = vector.shape_cast %get3A_371 : vector<1x16xf32> to vector<16xf32>
    %swap3A_373 = arith.constant 7 : i32
    %swap3A_374 = arith.index_cast %swap3A_373 : i32 to index
    %swap3A_375 = arith.constant 0 : index
    %swap3A_376 = tpu.vector_load %arg8[%swap3A_374, %swap3A_375] {strides = array<i32>} : memref<8x16xf32, #tpu.memory_space<vmem>>, vector<1x16xf32>,
    %swap3A_377 = vector.shape_cast %swap3A_376 : vector<1x16xf32> to vector<16xf32>
    %swap3A_378 = vector.shape_cast %get3A_372 : vector<16xf32> to vector<1x16xf32>
    tpu.vector_store %arg8[%swap3A_374, %swap3A_375], %swap3A_378 {strides = array<i32>} : memref<8x16xf32, #tpu.memory_space<vmem>>, vector<1x16xf32>,
    %mul3A_379 = arith.constant 32 : i32
    %mul3A_380 = arith.muli %add3A, %mul3A_379 : i32
    %add3A_381 = arith.constant 31 : i32
    %add3A_382 = arith.addi %mul3A_380, %add3A_381 : i32
    %dma_start3A_383 = arith.constant 0 : i32
    %dma_start3A_384 = arith.constant 0 : i32
    %dma_start3A_385 = tpu.memref_slice %arg6[%dma_start3A_383, %dma_start3A_384] : memref<8x10112xf32, #tpu.memory_space<vmem>> -> memref<8x9984xf32, #tpu.memory_space<vmem>>
    %dma_start3A_386 = arith.constant 0 : i32
    %dma_start3A_387 = arith.constant 0 : i32
    %dma_start3A_388 = tpu.memref_slice %arg4[%add3A_382, %dma_start3A_386, %dma_start3A_387] : memref<1024x12x10000xf32, #tpu.memory_space<hbm>> -> memref<1x8x9984xf32, #tpu.memory_space<hbm>>
    %dma_start3A_389 = tpu.memref_squeeze %dma_start3A_388 : memref<1x8x9984xf32, #tpu.memory_space<hbm>> -> memref<8x9984xf32, #tpu.memory_space<hbm>>
    %dma_start3A_390 = arith.constant 0 : i32
    %dma_start3A_391 = arith.constant 0 : i32
    %dma_start3A_392 = tpu.memref_slice %arg4[%add3A_382, %dma_start3A_390, %dma_start3A_391] : memref<1024x12x10000xf32, #tpu.memory_space<hbm>> -> memref<1x8x9984xf32, #tpu.memory_space<hbm>>
    %dma_start3A_393 = tpu.memref_squeeze %dma_start3A_392 : memref<1x8x9984xf32, #tpu.memory_space<hbm>> -> memref<8x9984xf32, #tpu.memory_space<hbm>>
    %dma_start3A_394 = arith.constant 0 : i32
    %dma_start3A_395 = arith.constant 0 : i32
    %dma_start3A_396 = tpu.memref_slice %arg6[%dma_start3A_394, %dma_start3A_395] : memref<8x10112xf32, #tpu.memory_space<vmem>> -> memref<8x9984xf32, #tpu.memory_space<vmem>>
    tpu.enqueue_dma source(%dma_start3A_396 : memref<8x9984xf32, #tpu.memory_space<vmem>>) target(%dma_start3A_393 : memref<8x9984xf32, #tpu.memory_space<hbm>>) target_semaphore(%arg12 : memref<!tpu.dma_semaphore, #tpu.memory_space<semaphore_mem>>)
    %mul3A_397 = arith.constant 32 : i32
    %mul3A_398 = arith.muli %add3A, %mul3A_397 : i32
    %add3A_399 = arith.constant 31 : i32
    %add3A_400 = arith.addi %mul3A_398, %add3A_399 : i32
    %dma_start3A_401 = arith.constant 0 : i32
    %dma_start3A_402 = arith.constant 9984 : i32
    %dma_start3A_403 = tpu.memref_slice %arg4[%add3A_400, %dma_start3A_401, %dma_start3A_402] : memref<1024x12x10000xf32, #tpu.memory_space<hbm>> -> memref<1x8x16xf32, #tpu.memory_space<hbm>>
    %dma_start3A_404 = tpu.memref_squeeze %dma_start3A_403 : memref<1x8x16xf32, #tpu.memory_space<hbm>> -> memref<8x16xf32, #tpu.memory_space<hbm>>
    %dma_start3A_405 = arith.constant 0 : i32
    %dma_start3A_406 = arith.constant 9984 : i32
    %dma_start3A_407 = tpu.memref_slice %arg4[%add3A_400, %dma_start3A_405, %dma_start3A_406] : memref<1024x12x10000xf32, #tpu.memory_space<hbm>> -> memref<1x8x16xf32, #tpu.memory_space<hbm>>
    %dma_start3A_408 = tpu.memref_squeeze %dma_start3A_407 : memref<1x8x16xf32, #tpu.memory_space<hbm>> -> memref<8x16xf32, #tpu.memory_space<hbm>>
    tpu.enqueue_dma source(%arg8 : memref<8x16xf32, #tpu.memory_space<vmem>>) target(%dma_start3A_408 : memref<8x16xf32, #tpu.memory_space<hbm>>) target_semaphore(%arg14 : memref<!tpu.dma_semaphore, #tpu.memory_space<semaphore_mem>>)
    %dma_wait3A_409 = arith.constant 31 : i32
    %dma_wait3A_410 = arith.constant 8 : i32
    %dma_wait3A_411 = tpu.memref_slice %arg5[%dma_wait3A_409, %dma_wait3A_410] : memref<32x12xi32, #tpu.memory_space<vmem>> -> memref<1x4xi32, #tpu.memory_space<vmem>>
    %dma_wait3A_412 = tpu.memref_squeeze %dma_wait3A_411 : memref<1x4xi32, #tpu.memory_space<vmem>> -> memref<4xi32, #tpu.memory_space<vmem>>
    %dma_wait3A_413 = arith.constant 0 : i32
    %dma_wait3A_414 = arith.constant 0 : i32
    %dma_wait3A_415 = tpu.memref_slice %arg3[%dma_wait3A_413, %dma_wait3A_414] : memref<288x10112xf32, #tpu.memory_space<hbm>> -> memref<288x10112xf32, #tpu.memory_space<hbm>>
    tpu.wait_indirect_dma semaphore(%arg11 : memref<!tpu.dma_semaphore, #tpu.memory_space<semaphore_mem>>) src(%dma_wait3A_415 : memref<288x10112xf32, #tpu.memory_space<hbm>>) dst(%arg7 : memref<4x10112xf32, #tpu.memory_space<vmem>>)
    %mul3A_416 = arith.constant 32 : i32
    %mul3A_417 = arith.muli %add3A, %mul3A_416 : i32
    %add3A_418 = arith.constant 30 : i32
    %add3A_419 = arith.addi %mul3A_417, %add3A_418 : i32
    %dma_wait3A_420 = arith.constant 8 : i32
    %dma_wait3A_421 = arith.constant 9984 : i32
    %dma_wait3A_422 = tpu.memref_slice %arg4[%add3A_419, %dma_wait3A_420, %dma_wait3A_421] : memref<1024x12x10000xf32, #tpu.memory_space<hbm>> -> memref<1x4x16xf32, #tpu.memory_space<hbm>>
    %dma_wait3A_423 = tpu.memref_squeeze %dma_wait3A_422 : memref<1x4x16xf32, #tpu.memory_space<hbm>> -> memref<4x16xf32, #tpu.memory_space<hbm>>
    %dma_wait3A_424 = arith.constant 8 : i32
    %dma_wait3A_425 = arith.constant 9984 : i32
    %dma_wait3A_426 = tpu.memref_slice %arg4[%add3A_419, %dma_wait3A_424, %dma_wait3A_425] : memref<1024x12x10000xf32, #tpu.memory_space<hbm>> -> memref<1x4x16xf32, #tpu.memory_space<hbm>>
    %dma_wait3A_427 = tpu.memref_squeeze %dma_wait3A_426 : memref<1x4x16xf32, #tpu.memory_space<hbm>> -> memref<4x16xf32, #tpu.memory_space<hbm>>
    tpu.wait_dma2 semaphore(%arg15 : memref<!tpu.dma_semaphore, #tpu.memory_space<semaphore_mem>>) src(%arg9 : memref<4x16xf32, #tpu.memory_space<vmem>>) dst(%dma_wait3A_427 : memref<4x16xf32, #tpu.memory_space<hbm>>)
    %get3A_428 = arith.constant 0 : i32
    %get3A_429 = arith.index_cast %get3A_428 : i32 to index
    %get3A_430 = arith.constant 9984 : index
    %get3A_431 = tpu.vector_load %arg7[%get3A_429, %get3A_430] {strides = array<i32>} : memref<4x10112xf32, #tpu.memory_space<vmem>>, vector<1x16xf32>,
    %get3A_432 = vector.shape_cast %get3A_431 : vector<1x16xf32> to vector<16xf32>
    %swap3A_433 = arith.constant 0 : i32
    %swap3A_434 = arith.index_cast %swap3A_433 : i32 to index
    %swap3A_435 = arith.constant 0 : index
    %swap3A_436 = tpu.vector_load %arg9[%swap3A_434, %swap3A_435] {strides = array<i32>} : memref<4x16xf32, #tpu.memory_space<vmem>>, vector<1x16xf32>,
    %swap3A_437 = vector.shape_cast %swap3A_436 : vector<1x16xf32> to vector<16xf32>
    %swap3A_438 = vector.shape_cast %get3A_432 : vector<16xf32> to vector<1x16xf32>
    tpu.vector_store %arg9[%swap3A_434, %swap3A_435], %swap3A_438 {strides = array<i32>} : memref<4x16xf32, #tpu.memory_space<vmem>>, vector<1x16xf32>,
    %get3A_439 = arith.constant 1 : i32
    %get3A_440 = arith.index_cast %get3A_439 : i32 to index
    %get3A_441 = arith.constant 9984 : index
    %get3A_442 = tpu.vector_load %arg7[%get3A_440, %get3A_441] {strides = array<i32>} : memref<4x10112xf32, #tpu.memory_space<vmem>>, vector<1x16xf32>,
    %get3A_443 = vector.shape_cast %get3A_442 : vector<1x16xf32> to vector<16xf32>
    %swap3A_444 = arith.constant 1 : i32
    %swap3A_445 = arith.index_cast %swap3A_444 : i32 to index
    %swap3A_446 = arith.constant 0 : index
    %swap3A_447 = tpu.vector_load %arg9[%swap3A_445, %swap3A_446] {strides = array<i32>} : memref<4x16xf32, #tpu.memory_space<vmem>>, vector<1x16xf32>,
    %swap3A_448 = vector.shape_cast %swap3A_447 : vector<1x16xf32> to vector<16xf32>
    %swap3A_449 = vector.shape_cast %get3A_443 : vector<16xf32> to vector<1x16xf32>
    tpu.vector_store %arg9[%swap3A_445, %swap3A_446], %swap3A_449 {strides = array<i32>} : memref<4x16xf32, #tpu.memory_space<vmem>>, vector<1x16xf32>,
    %get3A_450 = arith.constant 2 : i32
    %get3A_451 = arith.index_cast %get3A_450 : i32 to index
    %get3A_452 = arith.constant 9984 : index
    %get3A_453 = tpu.vector_load %arg7[%get3A_451, %get3A_452] {strides = array<i32>} : memref<4x10112xf32, #tpu.memory_space<vmem>>, vector<1x16xf32>,
    %get3A_454 = vector.shape_cast %get3A_453 : vector<1x16xf32> to vector<16xf32>
    %swap3A_455 = arith.constant 2 : i32
    %swap3A_456 = arith.index_cast %swap3A_455 : i32 to index
    %swap3A_457 = arith.constant 0 : index
    %swap3A_458 = tpu.vector_load %arg9[%swap3A_456, %swap3A_457] {strides = array<i32>} : memref<4x16xf32, #tpu.memory_space<vmem>>, vector<1x16xf32>,
    %swap3A_459 = vector.shape_cast %swap3A_458 : vector<1x16xf32> to vector<16xf32>
    %swap3A_460 = vector.shape_cast %get3A_454 : vector<16xf32> to vector<1x16xf32>
    tpu.vector_store %arg9[%swap3A_456, %swap3A_457], %swap3A_460 {strides = array<i32>} : memref<4x16xf32, #tpu.memory_space<vmem>>, vector<1x16xf32>,
    %get3A_461 = arith.constant 3 : i32
    %get3A_462 = arith.index_cast %get3A_461 : i32 to index
    %get3A_463 = arith.constant 9984 : index
    %get3A_464 = tpu.vector_load %arg7[%get3A_462, %get3A_463] {strides = array<i32>} : memref<4x10112xf32, #tpu.memory_space<vmem>>, vector<1x16xf32>,
    %get3A_465 = vector.shape_cast %get3A_464 : vector<1x16xf32> to vector<16xf32>
    %swap3A_466 = arith.constant 3 : i32
    %swap3A_467 = arith.index_cast %swap3A_466 : i32 to index
    %swap3A_468 = arith.constant 0 : index
    %swap3A_469 = tpu.vector_load %arg9[%swap3A_467, %swap3A_468] {strides = array<i32>} : memref<4x16xf32, #tpu.memory_space<vmem>>, vector<1x16xf32>,
    %swap3A_470 = vector.shape_cast %swap3A_469 : vector<1x16xf32> to vector<16xf32>
    %swap3A_471 = vector.shape_cast %get3A_465 : vector<16xf32> to vector<1x16xf32>
    tpu.vector_store %arg9[%swap3A_467, %swap3A_468], %swap3A_471 {strides = array<i32>} : memref<4x16xf32, #tpu.memory_space<vmem>>, vector<1x16xf32>,
    %mul3A_472 = arith.constant 32 : i32
    %mul3A_473 = arith.muli %add3A, %mul3A_472 : i32
    %add3A_474 = arith.constant 31 : i32
    %add3A_475 = arith.addi %mul3A_473, %add3A_474 : i32
    %dma_start3A_476 = arith.constant 0 : i32
    %dma_start3A_477 = arith.constant 0 : i32
    %dma_start3A_478 = tpu.memref_slice %arg7[%dma_start3A_476, %dma_start3A_477] : memref<4x10112xf32, #tpu.memory_space<vmem>> -> memref<4x9984xf32, #tpu.memory_space<vmem>>
    %dma_start3A_479 = arith.constant 8 : i32
    %dma_start3A_480 = arith.constant 0 : i32
    %dma_start3A_481 = tpu.memref_slice %arg4[%add3A_475, %dma_start3A_479, %dma_start3A_480] : memref<1024x12x10000xf32, #tpu.memory_space<hbm>> -> memref<1x4x9984xf32, #tpu.memory_space<hbm>>
    %dma_start3A_482 = tpu.memref_squeeze %dma_start3A_481 : memref<1x4x9984xf32, #tpu.memory_space<hbm>> -> memref<4x9984xf32, #tpu.memory_space<hbm>>
    %dma_start3A_483 = arith.constant 8 : i32
    %dma_start3A_484 = arith.constant 0 : i32
    %dma_start3A_485 = tpu.memref_slice %arg4[%add3A_475, %dma_start3A_483, %dma_start3A_484] : memref<1024x12x10000xf32, #tpu.memory_space<hbm>> -> memref<1x4x9984xf32, #tpu.memory_space<hbm>>
    %dma_start3A_486 = tpu.memref_squeeze %dma_start3A_485 : memref<1x4x9984xf32, #tpu.memory_space<hbm>> -> memref<4x9984xf32, #tpu.memory_space<hbm>>
    %dma_start3A_487 = arith.constant 0 : i32
    %dma_start3A_488 = arith.constant 0 : i32
    %dma_start3A_489 = tpu.memref_slice %arg7[%dma_start3A_487, %dma_start3A_488] : memref<4x10112xf32, #tpu.memory_space<vmem>> -> memref<4x9984xf32, #tpu.memory_space<vmem>>
    tpu.enqueue_dma source(%dma_start3A_489 : memref<4x9984xf32, #tpu.memory_space<vmem>>) target(%dma_start3A_486 : memref<4x9984xf32, #tpu.memory_space<hbm>>) target_semaphore(%arg13 : memref<!tpu.dma_semaphore, #tpu.memory_space<semaphore_mem>>)
    %mul3A_490 = arith.constant 32 : i32
    %mul3A_491 = arith.muli %add3A, %mul3A_490 : i32
    %add3A_492 = arith.constant 31 : i32
    %add3A_493 = arith.addi %mul3A_491, %add3A_492 : i32
    %dma_start3A_494 = arith.constant 8 : i32
    %dma_start3A_495 = arith.constant 9984 : i32
    %dma_start3A_496 = tpu.memref_slice %arg4[%add3A_493, %dma_start3A_494, %dma_start3A_495] : memref<1024x12x10000xf32, #tpu.memory_space<hbm>> -> memref<1x4x16xf32, #tpu.memory_space<hbm>>
    %dma_start3A_497 = tpu.memref_squeeze %dma_start3A_496 : memref<1x4x16xf32, #tpu.memory_space<hbm>> -> memref<4x16xf32, #tpu.memory_space<hbm>>
    %dma_start3A_498 = arith.constant 8 : i32
    %dma_start3A_499 = arith.constant 9984 : i32
    %dma_start3A_500 = tpu.memref_slice %arg4[%add3A_493, %dma_start3A_498, %dma_start3A_499] : memref<1024x12x10000xf32, #tpu.memory_space<hbm>> -> memref<1x4x16xf32, #tpu.memory_space<hbm>>
    %dma_start3A_501 = tpu.memref_squeeze %dma_start3A_500 : memref<1x4x16xf32, #tpu.memory_space<hbm>> -> memref<4x16xf32, #tpu.memory_space<hbm>>
    tpu.enqueue_dma source(%arg9 : memref<4x16xf32, #tpu.memory_space<vmem>>) target(%dma_start3A_501 : memref<4x16xf32, #tpu.memory_space<hbm>>) target_semaphore(%arg15 : memref<!tpu.dma_semaphore, #tpu.memory_space<semaphore_mem>>)
    %mul3A_502 = arith.constant 32 : i32
    %mul3A_503 = arith.muli %add3A, %mul3A_502 : i32
    %add3A_504 = arith.constant 31 : i32
    %add3A_505 = arith.addi %mul3A_503, %add3A_504 : i32
    %dma_wait3A_506 = arith.constant 0 : i32
    %dma_wait3A_507 = arith.constant 0 : i32
    %dma_wait3A_508 = tpu.memref_slice %arg6[%dma_wait3A_506, %dma_wait3A_507] : memref<8x10112xf32, #tpu.memory_space<vmem>> -> memref<8x9984xf32, #tpu.memory_space<vmem>>
    %dma_wait3A_509 = arith.constant 0 : i32
    %dma_wait3A_510 = arith.constant 0 : i32
    %dma_wait3A_511 = tpu.memref_slice %arg4[%add3A_505, %dma_wait3A_509, %dma_wait3A_510] : memref<1024x12x10000xf32, #tpu.memory_space<hbm>> -> memref<1x8x9984xf32, #tpu.memory_space<hbm>>
    %dma_wait3A_512 = tpu.memref_squeeze %dma_wait3A_511 : memref<1x8x9984xf32, #tpu.memory_space<hbm>> -> memref<8x9984xf32, #tpu.memory_space<hbm>>
    %dma_wait3A_513 = arith.constant 0 : i32
    %dma_wait3A_514 = arith.constant 0 : i32
    %dma_wait3A_515 = tpu.memref_slice %arg4[%add3A_505, %dma_wait3A_513, %dma_wait3A_514] : memref<1024x12x10000xf32, #tpu.memory_space<hbm>> -> memref<1x8x9984xf32, #tpu.memory_space<hbm>>
    %dma_wait3A_516 = tpu.memref_squeeze %dma_wait3A_515 : memref<1x8x9984xf32, #tpu.memory_space<hbm>> -> memref<8x9984xf32, #tpu.memory_space<hbm>>
    %dma_wait3A_517 = arith.constant 0 : i32
    %dma_wait3A_518 = arith.constant 0 : i32
    %dma_wait3A_519 = tpu.memref_slice %arg6[%dma_wait3A_517, %dma_wait3A_518] : memref<8x10112xf32, #tpu.memory_space<vmem>> -> memref<8x9984xf32, #tpu.memory_space<vmem>>
    tpu.wait_dma2 semaphore(%arg12 : memref<!tpu.dma_semaphore, #tpu.memory_space<semaphore_mem>>) src(%dma_wait3A_519 : memref<8x9984xf32, #tpu.memory_space<vmem>>) dst(%dma_wait3A_516 : memref<8x9984xf32, #tpu.memory_space<hbm>>)
    %mul3A_520 = arith.constant 32 : i32
    %mul3A_521 = arith.muli %add3A, %mul3A_520 : i32
    %add3A_522 = arith.constant 31 : i32
    %add3A_523 = arith.addi %mul3A_521, %add3A_522 : i32
    %dma_wait3A_524 = arith.constant 0 : i32
    %dma_wait3A_525 = arith.constant 0 : i32
    %dma_wait3A_526 = tpu.memref_slice %arg7[%dma_wait3A_524, %dma_wait3A_525] : memref<4x10112xf32, #tpu.memory_space<vmem>> -> memref<4x9984xf32, #tpu.memory_space<vmem>>
    %dma_wait3A_527 = arith.constant 8 : i32
    %dma_wait3A_528 = arith.constant 0 : i32
    %dma_wait3A_529 = tpu.memref_slice %arg4[%add3A_523, %dma_wait3A_527, %dma_wait3A_528] : memref<1024x12x10000xf32, #tpu.memory_space<hbm>> -> memref<1x4x9984xf32, #tpu.memory_space<hbm>>
    %dma_wait3A_530 = tpu.memref_squeeze %dma_wait3A_529 : memref<1x4x9984xf32, #tpu.memory_space<hbm>> -> memref<4x9984xf32, #tpu.memory_space<hbm>>
    %dma_wait3A_531 = arith.constant 8 : i32
    %dma_wait3A_532 = arith.constant 0 : i32
    %dma_wait3A_533 = tpu.memref_slice %arg4[%add3A_523, %dma_wait3A_531, %dma_wait3A_532] : memref<1024x12x10000xf32, #tpu.memory_space<hbm>> -> memref<1x4x9984xf32, #tpu.memory_space<hbm>>
    %dma_wait3A_534 = tpu.memref_squeeze %dma_wait3A_533 : memref<1x4x9984xf32, #tpu.memory_space<hbm>> -> memref<4x9984xf32, #tpu.memory_space<hbm>>
    %dma_wait3A_535 = arith.constant 0 : i32
    %dma_wait3A_536 = arith.constant 0 : i32
    %dma_wait3A_537 = tpu.memref_slice %arg7[%dma_wait3A_535, %dma_wait3A_536] : memref<4x10112xf32, #tpu.memory_space<vmem>> -> memref<4x9984xf32, #tpu.memory_space<vmem>>
    tpu.wait_dma2 semaphore(%arg13 : memref<!tpu.dma_semaphore, #tpu.memory_space<semaphore_mem>>) src(%dma_wait3A_537 : memref<4x9984xf32, #tpu.memory_space<vmem>>) dst(%dma_wait3A_534 : memref<4x9984xf32, #tpu.memory_space<hbm>>)
    %mul3A_538 = arith.constant 32 : i32
    %mul3A_539 = arith.muli %add3A, %mul3A_538 : i32
    %add3A_540 = arith.constant 31 : i32
    %add3A_541 = arith.addi %mul3A_539, %add3A_540 : i32
    %dma_wait3A_542 = arith.constant 0 : i32
    %dma_wait3A_543 = arith.constant 9984 : i32
    %dma_wait3A_544 = tpu.memref_slice %arg4[%add3A_541, %dma_wait3A_542, %dma_wait3A_543] : memref<1024x12x10000xf32, #tpu.memory_space<hbm>> -> memref<1x8x16xf32, #tpu.memory_space<hbm>>
    %dma_wait3A_545 = tpu.memref_squeeze %dma_wait3A_544 : memref<1x8x16xf32, #tpu.memory_space<hbm>> -> memref<8x16xf32, #tpu.memory_space<hbm>>
    %dma_wait3A_546 = arith.constant 0 : i32
    %dma_wait3A_547 = arith.constant 9984 : i32
    %dma_wait3A_548 = tpu.memref_slice %arg4[%add3A_541, %dma_wait3A_546, %dma_wait3A_547] : memref<1024x12x10000xf32, #tpu.memory_space<hbm>> -> memref<1x8x16xf32, #tpu.memory_space<hbm>>
    %dma_wait3A_549 = tpu.memref_squeeze %dma_wait3A_548 : memref<1x8x16xf32, #tpu.memory_space<hbm>> -> memref<8x16xf32, #tpu.memory_space<hbm>>
    tpu.wait_dma2 semaphore(%arg14 : memref<!tpu.dma_semaphore, #tpu.memory_space<semaphore_mem>>) src(%arg8 : memref<8x16xf32, #tpu.memory_space<vmem>>) dst(%dma_wait3A_549 : memref<8x16xf32, #tpu.memory_space<hbm>>)
    %mul3A_550 = arith.constant 32 : i32
    %mul3A_551 = arith.muli %add3A, %mul3A_550 : i32
    %add3A_552 = arith.constant 31 : i32
    %add3A_553 = arith.addi %mul3A_551, %add3A_552 : i32
    %dma_wait3A_554 = arith.constant 8 : i32
    %dma_wait3A_555 = arith.constant 9984 : i32
    %dma_wait3A_556 = tpu.memref_slice %arg4[%add3A_553, %dma_wait3A_554, %dma_wait3A_555] : memref<1024x12x10000xf32, #tpu.memory_space<hbm>> -> memref<1x4x16xf32, #tpu.memory_space<hbm>>
    %dma_wait3A_557 = tpu.memref_squeeze %dma_wait3A_556 : memref<1x4x16xf32, #tpu.memory_space<hbm>> -> memref<4x16xf32, #tpu.memory_space<hbm>>
    %dma_wait3A_558 = arith.constant 8 : i32
    %dma_wait3A_559 = arith.constant 9984 : i32
    %dma_wait3A_560 = tpu.memref_slice %arg4[%add3A_553, %dma_wait3A_558, %dma_wait3A_559] : memref<1024x12x10000xf32, #tpu.memory_space<hbm>> -> memref<1x4x16xf32, #tpu.memory_space<hbm>>
    %dma_wait3A_561 = tpu.memref_squeeze %dma_wait3A_560 : memref<1x4x16xf32, #tpu.memory_space<hbm>> -> memref<4x16xf32, #tpu.memory_space<hbm>>
    tpu.wait_dma2 semaphore(%arg15 : memref<!tpu.dma_semaphore, #tpu.memory_space<semaphore_mem>>) src(%arg9 : memref<4x16xf32, #tpu.memory_space<vmem>>) dst(%dma_wait3A_561 : memref<4x16xf32, #tpu.memory_space<hbm>>)
    return
  }
}

</mosaic_0001>

<sc_bundles>
// kernel: kernel.3.cloned.1.call-start
scs
__scs_entry_jumppad:
0x0: {  	(pc) =	sbr.rel $0x88, $3  }
0x1: {  	(tag) =	ssettag $0x0;
	lr =	simm.s32 $0x1  }
0x2: {  	[smem:$0x3F9F] =	sst lr;
	_ =	strace $0xD0000000  }
0x3: {  	_ = 	snop  }
0x4: {  	_ = 	snop  }
0x5: {  	_ = 	snop  }
0x6: {  	_ = 	snop  }
0x7: {  	_ = 	snop  }
__scs_overlays_trampoline_lowered:
0x8: {  	[smem:$0x3FAE] =	sst s0  }
0x9: {  	[smem:$0x3FAF] =	sst s1  }
0xa: {  	[smem:$0x3FB0] =	sst s2  }
0xb: {  	[smem:$0x3FB1] =	sst s3  }
0xc: {  	[smem:$0x3FB2] =	sst s4  }
0xd: {  	[smem:$0x3FB3] =	sst s5  }
0xe: {  	[smem:$0x3FB4] =	sst s6  }
0xf: {  	[smem:$0x3FB5] =	sst s7  }
0x10: {  	[smem:$0x3FB6] =	sst s8  }
0x11: {  	[smem:$0x3FB7] =	sst s9;
	s0 =	simm.s32 @!p0 $0x0  }
0x12: {  	s1 =	sld [smem:$0x3F9D];
	s0 =	simm.s32 @p0 $0x1  }
0x13: {  	[smem:$0x3FB8] =	sst s0;
	s0 =	simm.s32 @!p1 $0x0  }
0x14: {  	s2 =	sld [smem:$0x3F9C];
	s0 =	simm.s32 @p1 $0x1  }
0x15: {  	[smem:$0x3FB9] =	sst s0;
	s0 =	simm.s32 @!p2 $0x0  }
0x16: {  	s3 =	sld [smem:$0x3FDB];
	s0 =	simm.s32 @p2 $0x1  }
0x17: {  	s4 =	simm.s32 $0x1BF5;
	[smem:$0x3FBB] =	sst s0  }
0x18: {  	s0 =	sld [smem:$0x3F9E];
	_ =	swait.ge [sflag:s4], $0x0  }
0x19: {  	s7 =	sld [smem:$0x3F9F]  }
0x1a: {  	s8 =	sadd.s32 $0xFFFFE003, lr  }
0x1b: {  	s9 =	sadd.s32 $0xFFFFFEF7, lr;
	s5 =	simm.s32 $0xFFFFFFFF;
	p2 =	slt.u32 s8, $0xFFFFF086  }
0x1c: {  	p1 =	slt.u32 s9, $0xF7A;
	s5 =	simm.s32 @!p2 $0x0  }
0x1d: {  	s5 =	simm.s32 @p1 $0x1;
	p0 =	seq.s32 s7, s2  }
0x1e: {  	s7 =	smul.u32 @!p0 $0xF7A, s2;
	p2 =	seq.s32 @!p0 s5, $0x0  }
0x1f: {  	s9 =	smul.u32 $0xF7A, s1;
	s8 =	simm.s32 @!p0 $0x1BF5;
	p2 =	por !p2, p0  }
0x20: {  	[sflag:s8] =	ssyncset.s32 @!p0 $0xFFFFF086;
	s6 =	sadd.s32 @!p0 s3, s7;
	s7 =	simm.s32 @!p0 $0x108  }
0x21: {  	s3 =	sadd.s32 s3, s9;
	s6 =	sadd.s32 @!p0 $0x88, s6;
	s7 =	simm.s32 @p2 $0x1082  }
0x22: {  	[simem:s7], [sflag:s8] =	dma.local @!p0 [hbm:s6], $0xF7A  }
0x23: {  	s9 =	sor.u32 $0xD0000000, s2;
	s6 =	simm.s32 $0x108;
	_ =	swait.ge @!p0 [sflag:s8], $0x0  }
0x24: {  	s3 =	sadd.s32 $0x88, s3;
	s6 =	simm.s32 @!p1 $0x1082;
	[sflag:s4] =	ssyncset.s32 $0xFFFFF086  }
0x25: {  	[simem:s6], [sflag:s4] =	dma.local [hbm:s3], $0xF7A  }
0x26: {  	[smem:$0x3F9F] =	sst s1;
	(tag) =	ssettag s2;
	_ =	strace s9  }
0x27: {  	s1 =	sld [smem:$0x3FAF]  }
0x28: {  	s2 =	sld [smem:$0x3FB0]  }
0x29: {  	s4 =	sld [smem:$0x3FB2]  }
0x2a: {  	p0 =	seq.s32 s5, $0x0;
	s5 =	sld [smem:$0x3FB3]  }
0x2b: {  	s6 =	sld [smem:$0x3FB4]  }
0x2c: {  	s7 =	sld [smem:$0x3FB5]  }
0x2d: {  	s3 =	simm.s32 $0x108;
	s8 =	sld [smem:$0x3FB6]  }
0x2e: {  	s3 =	simm.s32 @!p0 $0x1082;
	s9 =	sld [smem:$0x3FB7]  }
0x2f: {  	lr =	sadd.s32 s0, s3;
	s0 =	sld [smem:$0x3FAE]  }
0x30: {  	s3 =	sld [smem:$0x3FB1]  }
0x31: {  	[smem:$0x3FBA] =	sst s10  }
0x32: {  	s10 =	sld [smem:$0x3FB8];
	_ =	sdelay $0x3  }
0x33: {  	p0 =	seq.s32 s10, $0x1;
	s10 =	sld [smem:$0x3FBA];
	_ =	sdelay $0x3  }
0x34: {  	[smem:$0x3FBA] =	sst s10  }
0x35: {  	s10 =	sld [smem:$0x3FB9];
	_ =	sdelay $0x3  }
0x36: {  	p1 =	seq.s32 s10, $0x1;
	s10 =	sld [smem:$0x3FBA];
	_ =	sdelay $0x3  }
0x37: {  	[smem:$0x3FBA] =	sst s10  }
0x38: {  	s10 =	sld [smem:$0x3FBB]  }
0x39: {  	_ = 	snop;
	(pc) =	sbr.ind lr, $3  }
0x3a: {  	_ = 	snop  }
0x3b: {  	_ = 	snop  }
0x3c: {  	p2 =	seq.s32 s10, $0x1;
	s10 =	sld [smem:$0x3FBA]  }
0x3d: {  	_ =	shalt  }
0x3e: {  	_ =	shalt  }
0x3f: {  	_ =	shalt  }
0x40: {  	_ =	shalt  }
0x41: {  	_ =	shalt  }
0x42: {  	_ =	shalt  }
0x43: {  	_ =	shalt  }
0x44: {  	_ =	shalt  }
0x45: {  	_ =	shalt  }
0x46: {  	_ =	shalt  }
0x47: {  	_ =	shalt  }
0x48: {  	_ =	shalt  }
0x49: {  	_ =	shalt  }
0x4a: {  	_ =	shalt  }
0x4b: {  	_ =	shalt  }
0x4c: {  	_ =	shalt  }
0x4d: {  	_ =	shalt  }
0x4e: {  	_ =	shalt  }
0x4f: {  	_ =	shalt  }
0x50: {  	_ =	shalt  }
0x51: {  	_ =	shalt  }
0x52: {  	_ =	shalt  }
0x53: {  	_ =	shalt  }
0x54: {  	_ =	shalt  }
0x55: {  	_ =	shalt  }
0x56: {  	_ =	shalt  }
0x57: {  	_ =	shalt  }
0x58: {  	_ =	shalt  }
0x59: {  	_ =	shalt  }
0x5a: {  	_ =	shalt  }
0x5b: {  	_ =	shalt  }
0x5c: {  	_ =	shalt  }
0x5d: {  	_ =	shalt  }
0x5e: {  	_ =	shalt  }
0x5f: {  	_ =	shalt  }
0x60: {  	_ =	shalt  }
0x61: {  	_ =	shalt  }
0x62: {  	_ =	shalt  }
0x63: {  	_ =	shalt  }
0x64: {  	_ =	shalt  }
0x65: {  	_ =	shalt  }
0x66: {  	_ =	shalt  }
0x67: {  	_ =	shalt  }
0x68: {  	_ =	shalt  }
0x69: {  	_ =	shalt  }
0x6a: {  	_ =	shalt  }
0x6b: {  	_ =	shalt  }
0x6c: {  	_ =	shalt  }
0x6d: {  	_ =	shalt  }
0x6e: {  	_ =	shalt  }
0x6f: {  	_ =	shalt  }
0x70: {  	_ =	shalt  }
0x71: {  	_ =	shalt  }
0x72: {  	_ =	shalt  }
0x73: {  	_ =	shalt  }
0x74: {  	_ =	shalt  }
0x75: {  	_ =	shalt  }
0x76: {  	_ =	shalt  }
0x77: {  	_ =	shalt  }
0x78: {  	_ =	shalt  }
0x79: {  	_ =	shalt  }
0x7a: {  	_ =	shalt  }
0x7b: {  	_ =	shalt  }
0x7c: {  	_ =	shalt  }
0x7d: {  	_ =	shalt  }
0x7e: {  	_ =	shalt  }
0x7f: {  	_ =	shalt  }
0x80: {  	_ =	shalt  }
0x81: {  	_ =	shalt  }
0x82: {  	_ =	shalt  }
0x83: {  	_ =	shalt  }
0x84: {  	_ =	shalt  }
0x85: {  	_ =	shalt  }
0x86: {  	_ =	shalt  }
0x87: {  	_ =	shalt  }
.Lfunc_end0:
.L_simem_size_0:
called_computation_lowered:
.L_overlay_start_0:
0x88: {  	s2 =	sld [smem:$0x3FD9]  }
0x89: {  	s3 =	sld [smem:$0x3FFE];
	_ =	sdelay $0x1  }
0x8a: {  	s1 =	srdreg.scid  }
0x8b: {  	s0 =	sand.u32 $0x1, s1  }
0x8c: {  	s17 =	sshll.u32 s0, $0xA;
	s2 =	sadd.s32 s3, s2  }
0x8d: {  	s2 =	sadd.s32 s2, s17  }
0x8e: {  	[smem:$0x3FC6] =	sst s2  }
0x8f: {  	_ = 	snop  }
0x90: {  	s2 =	sld [smem:$0x3FD0];
	(tm) =	ssettm $0x1  }
0x91: {  	s18 =	sld [smem:$0x3FFB];
	_ =	sdelay $0x3  }
0x92: {  	_ =	strace s18  }
0x93: {  	s3 =	sld [smem:$0x3FFC];
	_ =	sdelay $0x3  }
0x94: {  	_ =	strace s3  }
0x95: {  	s3 =	sld [smem:$0x3FFD];
	_ =	sdelay $0x3  }
0x96: {  	_ =	strace s3  }
0x97: {  	_ =	strace $0x8FFFFFFF  }
0x98: {  	s19 =	sld [smem:$0x3FDB];
	_ =	sdelay $0x1  }
0x99: {  	s4 =	simm.s32 $_scs_section_size  }
0x9a: {  	s5 =	simm.s32 $_size__tile_overlayer_lowered;
	s6 =	simm.s32 $_tile_overlayer_lowered  }
0x9b: {  	s22 =	simm.s32 $0x1BFF;
	s21 =	sshll.u32 s6, $0x1;
	s3 =	sadd.s32 s4, s19  }
0x9c: {  	s7 =	simm.s32 $0x0;
	s20 =	sshll.u32 s5, $0x1;
	s5 =	sadd.s32 s21, s3  }
0x9d: {  	[timem:s7], [sflag:s22] =	dma.local [hbm:s5], s20  }
0x9e: {  	_ =	swait.ge [sflag:s22], s20  }
0x9f: {  	s4 =	ssub.s32 $0x0, s20;
	[sflag:s22] =	ssyncset.done $0x0  }
0xa0: {  	[sflag:s22] =	ssyncadd.s32 s4;
	_ =	sdelay $0x1  }
0xa1: {  	s23 =	simm.s32 $0x1B8B  }
0xa2: {  	_ =	swait.ge [sflag:s23], $0x1  }
0xa3: {  	[sflag:s23] =	ssyncset.done $0x0  }
0xa4: {  	s25 =	simm.s32 $0x1B8E;
	s24 =	sld [smem:$0x3FFE];
	[sflag:s23] =	ssyncadd.s32 $0xFFFFFFFF  }
0xa5: {  	s26 =	simm.s32 $execute0_lowered;
	[smem:$0x3FD2] =	sst s25  }
0xa6: {  	s5 =	sshll.u32 s26, $0x1;
	_ =	strace $0x80000046;
	[dreg:$0x1] =	wrdreg $0xFFFFFFFF  }
0xa7: {  	s28 =	simm.s32 $_size_execute0_lowered;
	s3 =	sadd.s32 s3, s5;
	[dreg:$0x0] =	wrdreg $0x0  }
0xa8: {  	s5 =	sshll.u32 s28, $0x1;
	[dreg:$0x2] =	wrdreg s3  }
0xa9: {  	[dreg:$0x3] =	wrdreg s5  }
0xaa: {  	[dreg:$0x4] =	wrdreg $0xC0  }
0xab: {  	_ =	task [dreg:s7], $0x5FFFF  }
0xac: {  	[dreg:$0x1] =	wrdreg $0xFFFFFFFF  }
0xad: {  	[dreg:$0x0] =	wrdreg $0x60  }
0xae: {  	[dreg:$0x2] =	wrdreg s24  }
0xaf: {  	[dreg:$0x3] =	wrdreg s2  }
0xb0: {  	[dreg:$0x4] =	wrdreg $0x9  }
0xb1: {  	_ =	task.clear_ibuf [dreg:s7], $0x5FFFF;
	_ =	strace $0x90000046  }
0xb2: {  	s29 =	simm.s32 $0x9;
	_ =	strace $0x80000048  }
0xb3: {  	_ =	swait.ge [sflag:s29], $0x1  }
0xb4: {  	[sflag:s29] =	ssyncadd.s32 $0xFFFFFFFF  }
0xb5: {  	_ =	strace $0x90000048  }
0xb6: {  	_ =	sfence  }
0xb7: {  	s30 =	sld [smem:$0x0];
	_ =	sdelay $0x2  }
0xb8: {  	s31 =	sshll.u32 s1, $0xD;
	s1 =	sshrl.u32 s1, $0x2  }
0xb9: {  	s3 =	sand.u32 $0x4000, s31;
	s1 =	sadd.s32 s1, s30  }
0xba: {  	s0 =	sor.u32 s3, s0;
	s1 =	sshll.u32 s1, $0x11  }
0xbb: {  	s0 =	sor.u32 s1, s0  }
0xbc: {  	s0 =	sadd.s32 $0x8F2B, s0  }
0xbd: {  	[sflag:s0] =	ssyncadd.remote.s32 $0x1  }
0xbe: {  	_ =	sfence.sel $0xFFFF  }
0xbf: {  	[dreg:$0x0] =	wrdreg $0xFFFFFFFF;
	(pc) =	sbr.abs _section_cstart, $3  }
0xc0: {  	[dreg:$0x1] =	wrdreg $0xFFFFFFFF  }
0xc1: {  	_ =	task.clear_ibuf [dreg:s7], $0x2FFFF;
	_ =	strace $0x9FFFFFFF  }
0xc2: {  	(tm) =	ssettm $0x7FFFFFFF  }
0xc3: {  	_ =	shalt  }
tec
execute0_lowered:
.L_overlay_start_1:
0x0: {  	(tag) =	ssettag $0x1  }
0x1: {  	s0 =	rddreg [dreg:$0x0]  }
0x2: {  	s12 =	rddreg [dreg:$0x1];
	s1 =	srdreg.scid;
	s3 =	simm.s32 $0x0  }
0x3: {  	s9 =	stileid.u32;
	[smem:$0x7FF] =	sst s3;
	s15 =	sadd.s32 $0x100, s12  }
0x4: {  	s16 =	sadd.s32 $0x200, s12;
	_ =	strace $0x80000047;
	[dreg:$0x1e] =	wrdreg s15  }
0x5: {  	s1 =	sand.u32 $0x1, s1;
	s17 =	sadd.s32 $0x300, s12;
	[smem:$0x7E6] =	sst s16  }
0x6: {  	s2 =	sshll.u32 s9, $0x1;
	s18 =	sadd.s32 $0x400, s12;
	[smem:$0x7E7] =	sst s17  }
0x7: {  	s20 =	sadd.s32 $0x500, s12;
	s10 =	sadd.s32 $0x600, s12;
	[smem:$0x7E8] =	sst s18  }
0x8: {  	s21 =	sadd.s32 $0x700, s12;
	s8 =	sadd.s32 $0x800, s12;
	[smem:$0x7E9] =	sst s20  }
0x9: {  	s7 =	smul.u32 $0x13C000, s9;
	s22 =	sadd.s32 $0x900, s12;
	[dreg:$0x1f] =	wrdreg s21  }
0xa: {  	s23 =	sadd.s32 $0xA00, s12;
	s9 =	smul.u32 $0x9E0000, s9;
	[smem:$0x7EA] =	sst s22  }
0xb: {  	s24 =	sadd.s32 $0xB00, s12;
	s30 =	sadd.s32 $0xE00, s12;
	[smem:$0x7EB] =	sst s23  }
0xc: {  	s2 =	sor.u32 s1, s2;
	s4 =	ssub.s32 $0x2, s1;
	[smem:$0x7EC] =	sst s24  }
0xd: {  	s24 =	sadd.s32 $0xC00, s12;
	s11 =	smul.u32 $0x4F0000, s1;
	[dreg:$0x11] =	wrdreg s30  }
0xe: {  	s1 =	smul.u32 $0x9E000, s1;
	s23 =	sadd.s32 $0xD00, s12;
	[smem:$0x7F4] =	sst s10  }
0xf: {  	[smem:$0x7F5] =	sst s8;
	s5 =	sshll.u32 s2, $0x9;
	s6 =	sshrl.u32 s4, $0x1  }
0x10: {  	s19 =	smul.u32 $0x9E000, s2;
	[smem:$0x7ED] =	sst s23;
	s23 =	sadd.s32 $0x2500, s12  }
0x11: {  	[smem:$0x7F6] =	sst s24;
	s5 =	sadd.s32 s5, s0;
	s6 =	ssub.s32 s4, s6  }
0x12: {  	s26 =	sadd.s32 s11, s9;
	s11 =	sadd.s32 $0x1F00, s12;
	[dreg:$0x1b] =	wrdreg s23  }
0x13: {  	s5 =	sadd.s32 $0x400, s5;
	s4 =	sadd.s32 $0x3B000, s26;
	[dreg:$0x15] =	wrdreg s11  }
0x14: {  	s14 =	sadd.s32 $0x3B400, s26;
	s22 =	smax.u32 s6, $0x1;
	[dreg:$0x7] =	wrdreg s5  }
0x15: {  	s16 =	sadd.s32 $0x4EC00, s26;
	s26 =	sadd.s32 $0x1100, s12;
	[dreg:$0x10] =	wrdreg s22  }
0x16: {  	s0 =	sadd.s32 $0x4400, s0;
	s6 =	sadd.s32 $0x1E00, s12;
	[smem:$0x7EF] =	sst s26  }
0x17: {  	s25 =	sadd.s32 s7, s0;
	s7 =	sadd.s32 $0x1600, s12;
	[dreg:$0x14] =	wrdreg s6  }
0x18: {  	s2 =	smul.u32 $0x4F0000, s2;
	s5 =	sadd.s32 s0, s19;
	[smem:$0x7FB] =	sst s7  }
0x19: {  	s1 =	sadd.s32 s1, s25;
	s25 =	sadd.s32 $0xF00, s12;
	[dreg:$0x8] =	wrdreg s5  }
0x1a: {  	s15 =	sshrl.u32 s14, $0x3;
	s14 =	sadd.s32 $0x2000, s12;
	[smem:$0x7EE] =	sst s25  }
0x1b: {  	s2 =	sshrl.u32 s2, $0x3;
	s22 =	sadd.s32 $0x2400, s12;
	[dreg:$0x16] =	wrdreg s14  }
0x1c: {  	s2 =	sadd.s32 s0, s2;
	s26 =	sadd.s32 $0x2600, s12;
	[dreg:$0x1a] =	wrdreg s22  }
0x1d: {  	s31 =	sadd.s32 $0x2700, s2;
	[dreg:$0x1c] =	wrdreg s26  }
0x1e: {  	s9 =	sadd.s32 $0x2780, s2;
	[dreg:$0x9] =	wrdreg s31  }
0x1f: {  	s1 =	sadd.s32 $0x4F00, s1;
	[dreg:$0xa] =	wrdreg s9  }
0x20: {  	s17 =	sadd.s32 $0x4E80, s2;
	[dreg:$0x3] =	wrdreg s1  }
0x21: {  	s18 =	sadd.s32 $0x99100, s2;
	[dreg:$0xb] =	wrdreg s17  }
0x22: {  	s19 =	sadd.s32 $0x9B800, s2;
	[dreg:$0xc] =	wrdreg s18  }
0x23: {  	s20 =	sadd.s32 $0x9B880, s2;
	[dreg:$0xd] =	wrdreg s19  }
0x24: {  	s21 =	sadd.s32 $0x9DF80, s2;
	[dreg:$0xe] =	wrdreg s20  }
0x25: {  	s2 =	sadd.s32 $0x1700, s12;
	[dreg:$0xf] =	wrdreg s21  }
0x26: {  	s5 =	sshrl.u32 s4, $0x3;
	s4 =	sadd.s32 $0x1D00, s12;
	[smem:$0x7F2] =	sst s2  }
0x27: {  	s25 =	sadd.s32 $0x1800, s12;
	[dreg:$0x13] =	wrdreg s4  }
0x28: {  	s13 =	sadd.s32 s5, s0;
	[smem:$0x7FA] =	sst s25  }
0x29: {  	s1 =	sadd.s32 s15, s0;
	[dreg:$0x4] =	wrdreg s13  }
0x2a: {  	s31 =	sadd.s32 $0x1300, s12;
	[dreg:$0x5] =	wrdreg s1  }
0x2b: {  	s5 =	sshrl.u32 s16, $0x3;
	s16 =	sadd.s32 $0x2100, s12;
	[smem:$0x7F0] =	sst s31  }
0x2c: {  	s17 =	sadd.s32 $0x2200, s12;
	[dreg:$0x17] =	wrdreg s16  }
0x2d: {  	s18 =	sadd.s32 $0x2300, s12;
	[dreg:$0x18] =	wrdreg s17  }
0x2e: {  	s15 =	sadd.s32 $0x1B00, s12;
	[dreg:$0x19] =	wrdreg s18  }
0x2f: {  	s28 =	simm.s32 $0x5000;
	s21 =	sadd.s32 $0x1000, s12;
	[dreg:$0x12] =	wrdreg s15  }
0x30: {  	s29 =	simm.s32 $0x5800;
	s20 =	sadd.s32 $0x1200, s12;
	[smem:$0x7F7] =	sst s21  }
0x31: {  	s23 =	simm.s32 $0x4800;
	s19 =	sadd.s32 $0x1A00, s12;
	[smem:$0x7F8] =	sst s20  }
0x32: {  	s11 =	simm.s32 $0x2800;
	s9 =	sadd.s32 $0x1900, s12;
	[smem:$0x7F9] =	sst s19  }
0x33: {  	s14 =	simm.s32 $0x0;
	s0 =	sadd.s32 s5, s0;
	[smem:$0x7FD] =	sst s9  }
0x34: {  	s4 =	smov.u32 s12;
	s1 =	sadd.s32 $0x1500, s12;
	[dreg:$0x6] =	wrdreg s0  }
0x35: {  	v2 =	vlaneseq.u32;
	s2 =	simm.s32 $0x2000;
	s31 =	sadd.s32 $0x2700, s12;
	[smem:$0x7F1] =	sst s1  }
0x36: {  	vm0 =	vmmov $0xff;
	vm1 =	vmmov $0xffff;
	vm2 =	vmmov $0xfff;
	s5 =	sadd.s32 $0x1400, s12;
	s13 =	sadd.s32 $0x1C00, s12;
	[dreg:$0x1d] =	wrdreg s31  }
0x37: {  	v0 =	vand.u32 $0x7, v2;
	v1 =	vshrl.u32 v2, $0x3;
	v3 =	vshrl.u32 v2, $0x2;
	s12 =	simm.s32 $0x3000;
	s17 =	simm.s32 $0x3800;
	[smem:$0x7F3] =	sst s13  }
0x38: {  	v2 =	vand.u32 $0x3, v2;
	v1 =	vmul.u32 $0x8, v1;
	v3 =	vmul.u32 $0x8, v3;
	s18 =	simm.s32 $0x4000;
	s0 =	simm.s32 $0x1800;
	[smem:$0x7FC] =	sst s5  }
.LBB2_1:
0x39: {  	[smem:$0x7E5] =	sst s14  }
0x3a: {  	s1 =	rddreg [dreg:$0x7];
	s14 =	simm.s32 $0x7  }
0x3b: {  	[tilespmem:s3], [sflag:$0x7] =	stream.linear.gather [hbm4b:s1+s3], $0x1000, $0x38;
	[tilespmem:$0x1F000] =	vst v63  }
0x3c: {  	_ =	swait.ge [sflag:s14], $0x1000  }
0x3d: {  	[sflag:s14] =	ssyncset.done $0x0  }
0x3e: {  	[sflag:s14] =	ssyncadd.s32 $0xFFFFF000  }
0x3f: {  	v4 =	vld.msk [tilespmem:$0x0], $0xff;
	_ =	sdelay $0x4  }
0x40: {  	v5 =	vshrl.u32 v4, $0x3  }
0x41: {  	v5 =	vmul.u32 $0x278, v5  }
0x42: {  	v4 =	vand.u32 $0x7, v4  }
0x43: {  	v4 =	vor.u32 v4, v5  }
0x44: {  	v4 =	vperm.xlane v4, v0;
	_ =	sdelay $0x1  }
0x45: {  	v4 =	vadd.s32 v1, v4;
	_ =	sdelay $0x3  }
0x46: {  	s6 =	simm.s32 $0x1000;
	s16 =	rddreg [dreg:$0x1e]  }
0x47: {  	[tilespmem:s6], [sflag:$0x1] =	stream.indirect_vreg.gather [hbm4b:s4+s3], $0x80, v4, vm1, $0xb8;
	[tilespmem:$0x1F000] =	vst v63  }
0x48: {  	s22 =	sld [smem:$0x7E6]  }
0x49: {  	[tilespmem:s0], [sflag:$0x1] =	stream.indirect_vreg.gather [hbm4b:s16+s3], $0x80, v4, vm1, $0xb8;
	[tilespmem:$0x1F000] =	vst v63  }
0x4a: {  	s26 =	sld [smem:$0x7E7]  }
0x4b: {  	[tilespmem:s2], [sflag:$0x1] =	stream.indirect_vreg.gather [hbm4b:s22+s3], $0x80, v4, vm1, $0xb8;
	[tilespmem:$0x1F000] =	vst v63  }
0x4c: {  	s31 =	sld [smem:$0x7E8]  }
0x4d: {  	[tilespmem:s11], [sflag:$0x1] =	stream.indirect_vreg.gather [hbm4b:s26+s3], $0x80, v4, vm1, $0xb8;
	[tilespmem:$0x1F000] =	vst v63  }
0x4e: {  	s1 =	sld [smem:$0x7E9]  }
0x4f: {  	[tilespmem:s12], [sflag:$0x1] =	stream.indirect_vreg.gather [hbm4b:s31+s3], $0x80, v4, vm1, $0xb8;
	[tilespmem:$0x1F000] =	vst v63  }
0x50: {  	_ = 	snop  }
0x51: {  	[tilespmem:s17], [sflag:$0x1] =	stream.indirect_vreg.gather [hbm4b:s1+s3], $0x80, v4, vm1, $0xb8;
	[tilespmem:$0x1F000] =	vst v63  }
0x52: {  	_ = 	snop  }
0x53: {  	[tilespmem:s18], [sflag:$0x1] =	stream.indirect_vreg.gather [hbm4b:s10+s3], $0x80, v4, vm1, $0xb8;
	[tilespmem:$0x1F000] =	vst v63  }
0x54: {  	s2 =	rddreg [dreg:$0x1f]  }
0x55: {  	[tilespmem:s23], [sflag:$0x1] =	stream.indirect_vreg.gather [hbm4b:s2+s3], $0x80, v4, vm1, $0xb8;
	[tilespmem:$0x1F000] =	vst v63  }
0x56: {  	s6 =	sld [smem:$0x7EA]  }
0x57: {  	[tilespmem:s28], [sflag:$0x1] =	stream.indirect_vreg.gather [hbm4b:s8+s3], $0x80, v4, vm1, $0xb8;
	[tilespmem:$0x1F000] =	vst v63  }
0x58: {  	s11 =	sld [smem:$0x7EB]  }
0x59: {  	[tilespmem:s29], [sflag:$0x1] =	stream.indirect_vreg.gather [hbm4b:s6+s3], $0x80, v4, vm1, $0xb8;
	[tilespmem:$0x1F000] =	vst v63  }
0x5a: {  	s14 =	sld [smem:$0x7EC];
	s12 =	simm.s32 $0x6000  }
0x5b: {  	[tilespmem:s12], [sflag:$0x1] =	stream.indirect_vreg.gather [hbm4b:s11+s3], $0x80, v4, vm1, $0xb8;
	[tilespmem:$0x1F000] =	vst v63  }
0x5c: {  	s16 =	simm.s32 $0x6800  }
0x5d: {  	[tilespmem:s16], [sflag:$0x1] =	stream.indirect_vreg.gather [hbm4b:s14+s3], $0x80, v4, vm1, $0xb8;
	[tilespmem:$0x1F000] =	vst v63  }
0x5e: {  	s17 =	simm.s32 $0x7000;
	s18 =	sld [smem:$0x7ED]  }
0x5f: {  	[tilespmem:s17], [sflag:$0x1] =	stream.indirect_vreg.gather [hbm4b:s24+s3], $0x80, v4, vm1, $0xb8;
	[tilespmem:$0x1F000] =	vst v63  }
0x60: {  	s22 =	simm.s32 $0x7800  }
0x61: {  	[tilespmem:s22], [sflag:$0x1] =	stream.indirect_vreg.gather [hbm4b:s18+s3], $0x80, v4, vm1, $0xb8;
	[tilespmem:$0x1F000] =	vst v63  }
0x62: {  	s26 =	sld [smem:$0x7EE];
	s23 =	simm.s32 $0x8000  }
0x63: {  	[tilespmem:s23], [sflag:$0x1] =	stream.indirect_vreg.gather [hbm4b:s30+s3], $0x80, v4, vm1, $0xb8;
	[tilespmem:$0x1F000] =	vst v63  }
0x64: {  	s28 =	simm.s32 $0x8800  }
0x65: {  	[tilespmem:s28], [sflag:$0x1] =	stream.indirect_vreg.gather [hbm4b:s26+s3], $0x80, v4, vm1, $0xb8;
	[tilespmem:$0x1F000] =	vst v63  }
0x66: {  	s29 =	simm.s32 $0x9000;
	s30 =	sld [smem:$0x7EF]  }
0x67: {  	[tilespmem:s29], [sflag:$0x1] =	stream.indirect_vreg.gather [hbm4b:s21+s3], $0x80, v4, vm1, $0xb8;
	[tilespmem:$0x1F000] =	vst v63  }
0x68: {  	s31 =	simm.s32 $0x9800  }
0x69: {  	[tilespmem:s31], [sflag:$0x1] =	stream.indirect_vreg.gather [hbm4b:s30+s3], $0x80, v4, vm1, $0xb8;
	[tilespmem:$0x1F000] =	vst v63  }
0x6a: {  	s2 =	simm.s32 $0xA000;
	s6 =	sld [smem:$0x7F0]  }
0x6b: {  	[tilespmem:s2], [sflag:$0x1] =	stream.indirect_vreg.gather [hbm4b:s20+s3], $0x80, v4, vm1, $0xb8;
	[tilespmem:$0x1F000] =	vst v63  }
0x6c: {  	s11 =	simm.s32 $0xA800  }
0x6d: {  	[tilespmem:s11], [sflag:$0x1] =	stream.indirect_vreg.gather [hbm4b:s6+s3], $0x80, v4, vm1, $0xb8;
	[tilespmem:$0x1F000] =	vst v63  }
0x6e: {  	s12 =	simm.s32 $0xB000;
	s14 =	sld [smem:$0x7F1]  }
0x6f: {  	[tilespmem:s12], [sflag:$0x1] =	stream.indirect_vreg.gather [hbm4b:s5+s3], $0x80, v4, vm1, $0xb8;
	[tilespmem:$0x1F000] =	vst v63  }
0x70: {  	s16 =	simm.s32 $0xB800  }
0x71: {  	[tilespmem:s16], [sflag:$0x1] =	stream.indirect_vreg.gather [hbm4b:s14+s3], $0x80, v4, vm1, $0xb8;
	[tilespmem:$0x1F000] =	vst v63  }
0x72: {  	s17 =	simm.s32 $0xC000;
	s18 =	sld [smem:$0x7F2]  }
0x73: {  	[tilespmem:s17], [sflag:$0x1] =	stream.indirect_vreg.gather [hbm4b:s7+s3], $0x80, v4, vm1, $0xb8;
	[tilespmem:$0x1F000] =	vst v63  }
0x74: {  	s22 =	simm.s32 $0xC800  }
0x75: {  	[tilespmem:s22], [sflag:$0x1] =	stream.indirect_vreg.gather [hbm4b:s18+s3], $0x80, v4, vm1, $0xb8;
	[tilespmem:$0x1F000] =	vst v63  }
0x76: {  	s23 =	simm.s32 $0xD000  }
0x77: {  	[tilespmem:s23], [sflag:$0x1] =	stream.indirect_vreg.gather [hbm4b:s25+s3], $0x80, v4, vm1, $0xb8;
	[tilespmem:$0x1F000] =	vst v63  }
0x78: {  	s26 =	simm.s32 $0xD800  }
0x79: {  	[tilespmem:s26], [sflag:$0x1] =	stream.indirect_vreg.gather [hbm4b:s9+s3], $0x80, v4, vm1, $0xb8;
	[tilespmem:$0x1F000] =	vst v63  }
0x7a: {  	s28 =	simm.s32 $0xE000  }
0x7b: {  	[tilespmem:s28], [sflag:$0x1] =	stream.indirect_vreg.gather [hbm4b:s19+s3], $0x80, v4, vm1, $0xb8;
	[tilespmem:$0x1F000] =	vst v63  }
0x7c: {  	s29 =	simm.s32 $0xE800  }
0x7d: {  	[tilespmem:s29], [sflag:$0x1] =	stream.indirect_vreg.gather [hbm4b:s15+s3], $0x80, v4, vm1, $0xb8;
	[tilespmem:$0x1F000] =	vst v63  }
0x7e: {  	s30 =	simm.s32 $0xF000  }
0x7f: {  	[tilespmem:s30], [sflag:$0x1] =	stream.indirect_vreg.gather [hbm4b:s13+s3], $0x80, v4, vm1, $0xb8;
	[tilespmem:$0x1F000] =	vst v63  }
0x80: {  	s31 =	simm.s32 $0xF800;
	s18 =	rddreg [dreg:$0x13]  }
0x81: {  	[tilespmem:s31], [sflag:$0x1] =	stream.indirect_vreg.gather [hbm4b:s18+s3], $0x80, v4, vm1, $0xb8;
	[tilespmem:$0x1F000] =	vst v63  }
0x82: {  	s1 =	simm.s32 $0x10000;
	s14 =	rddreg [dreg:$0x14]  }
0x83: {  	[tilespmem:s1], [sflag:$0x1] =	stream.indirect_vreg.gather [hbm4b:s14+s3], $0x80, v4, vm1, $0xb8;
	[tilespmem:$0x1F000] =	vst v63  }
0x84: {  	s6 =	simm.s32 $0x10800;
	s23 =	rddreg [dreg:$0x15]  }
0x85: {  	[tilespmem:s6], [sflag:$0x1] =	stream.indirect_vreg.gather [hbm4b:s23+s3], $0x80, v4, vm1, $0xb8;
	[tilespmem:$0x1F000] =	vst v63  }
0x86: {  	s2 =	smov.u32 s13;
	s11 =	simm.s32 $0x11000;
	s13 =	rddreg [dreg:$0x16]  }
0x87: {  	[tilespmem:s11], [sflag:$0x1] =	stream.indirect_vreg.gather [hbm4b:s13+s3], $0x80, v4, vm1, $0xb8;
	[tilespmem:$0x1F000] =	vst v63  }
0x88: {  	s12 =	simm.s32 $0x11800;
	s22 =	rddreg [dreg:$0x17]  }
0x89: {  	[tilespmem:s12], [sflag:$0x1] =	stream.indirect_vreg.gather [hbm4b:s22+s3], $0x80, v4, vm1, $0xb8;
	[tilespmem:$0x1F000] =	vst v63  }
0x8a: {  	s15 =	simm.s32 $0x12000;
	s12 =	rddreg [dreg:$0x18]  }
0x8b: {  	[tilespmem:s15], [sflag:$0x1] =	stream.indirect_vreg.gather [hbm4b:s12+s3], $0x80, v4, vm1, $0xb8;
	[tilespmem:$0x1F000] =	vst v63  }
0x8c: {  	s16 =	simm.s32 $0x12800;
	s28 =	rddreg [dreg:$0x19]  }
0x8d: {  	[tilespmem:s16], [sflag:$0x1] =	stream.indirect_vreg.gather [hbm4b:s28+s3], $0x80, v4, vm1, $0xb8;
	[tilespmem:$0x1F000] =	vst v63  }
0x8e: {  	s17 =	simm.s32 $0x13000;
	s11 =	rddreg [dreg:$0x1a]  }
0x8f: {  	[tilespmem:s17], [sflag:$0x1] =	stream.indirect_vreg.gather [hbm4b:s11+s3], $0x80, v4, vm1, $0xb8;
	[tilespmem:$0x1F000] =	vst v63  }
0x90: {  	s26 =	simm.s32 $0x13800;
	s29 =	rddreg [dreg:$0x1b]  }
0x91: {  	[tilespmem:s26], [sflag:$0x1] =	stream.indirect_vreg.gather [hbm4b:s29+s3], $0x80, v4, vm1, $0xb8;
	[tilespmem:$0x1F000] =	vst v63  }
0x92: {  	s30 =	simm.s32 $0x14000;
	s6 =	rddreg [dreg:$0x1c]  }
0x93: {  	[tilespmem:s30], [sflag:$0x1] =	stream.indirect_vreg.gather [hbm4b:s6+s3], $0x80, v4, vm1, $0xb8;
	[tilespmem:$0x1F000] =	vst v63  }
0x94: {  	s31 =	simm.s32 $0x14800;
	s16 =	rddreg [dreg:$0x1d]  }
0x95: {  	[tilespmem:s31], [sflag:$0x1] =	stream.indirect_vreg.gather [hbm4b:s16+s3], $0x80, v4, vm0, $0xb8;
	[tilespmem:$0x1F000] =	vst v63  }
0x96: {  	v4 =	vld.msk [tilespmem:$0x8], $0xf;
	_ =	sdelay $0x4  }
0x97: {  	v5 =	vshrl.u32 v4, $0x3  }
0x98: {  	v5 =	vmul.u32 $0x278, v5  }
0x99: {  	v4 =	vand.u32 $0x7, v4  }
0x9a: {  	v4 =	vor.u32 v4, v5  }
0x9b: {  	v4 =	vperm.xlane v4, v2;
	_ =	sdelay $0x1  }
0x9c: {  	v4 =	vadd.s32 v3, v4;
	_ =	sdelay $0x2  }
0x9d: {  	s15 =	rddreg [dreg:$0x1]  }
0x9e: {  	s1 =	simm.s32 $0x14C00;
	s26 =	sld [smem:$0x7E6]  }
0x9f: {  	[tilespmem:s1], [sflag:$0x2] =	stream.indirect_vreg.gather [hbm4b:s15+s3], $0x80, v4, vm1, $0xb8;
	[tilespmem:$0x1F000] =	vst v63  }
0xa0: {  	s17 =	simm.s32 $0x15400;
	s31 =	sld [smem:$0x7E8]  }
0xa1: {  	[tilespmem:s17], [sflag:$0x2] =	stream.indirect_vreg.gather [hbm4b:s26+s3], $0x80, v4, vm1, $0xb8;
	[tilespmem:$0x1F000] =	vst v63  }
0xa2: {  	s30 =	simm.s32 $0x15C00;
	s15 =	sld [smem:$0x7F4]  }
0xa3: {  	[tilespmem:s30], [sflag:$0x2] =	stream.indirect_vreg.gather [hbm4b:s31+s3], $0x80, v4, vm1, $0xb8;
	[tilespmem:$0x1F000] =	vst v63  }
0xa4: {  	s1 =	simm.s32 $0x16400;
	s26 =	sld [smem:$0x7F5]  }
0xa5: {  	[tilespmem:s1], [sflag:$0x2] =	stream.indirect_vreg.gather [hbm4b:s15+s3], $0x80, v4, vm1, $0xb8;
	[tilespmem:$0x1F000] =	vst v63  }
0xa6: {  	s17 =	simm.s32 $0x16C00;
	s31 =	sld [smem:$0x7EB]  }
0xa7: {  	[tilespmem:s17], [sflag:$0x2] =	stream.indirect_vreg.gather [hbm4b:s26+s3], $0x80, v4, vm1, $0xb8;
	[tilespmem:$0x1F000] =	vst v63  }
0xa8: {  	s30 =	simm.s32 $0x17400;
	s15 =	sld [smem:$0x7F6]  }
0xa9: {  	[tilespmem:s30], [sflag:$0x2] =	stream.indirect_vreg.gather [hbm4b:s31+s3], $0x80, v4, vm1, $0xb8;
	[tilespmem:$0x1F000] =	vst v63  }
0xaa: {  	s1 =	simm.s32 $0x17C00;
	s26 =	rddreg [dreg:$0x11]  }
0xab: {  	[tilespmem:s1], [sflag:$0x2] =	stream.indirect_vreg.gather [hbm4b:s15+s3], $0x80, v4, vm1, $0xb8;
	[tilespmem:$0x1F000] =	vst v63  }
0xac: {  	s17 =	simm.s32 $0x18400;
	s31 =	sld [smem:$0x7F7]  }
0xad: {  	[tilespmem:s17], [sflag:$0x2] =	stream.indirect_vreg.gather [hbm4b:s26+s3], $0x80, v4, vm1, $0xb8;
	[tilespmem:$0x1F000] =	vst v63  }
0xae: {  	s30 =	simm.s32 $0x18C00;
	s15 =	sld [smem:$0x7F8]  }
0xaf: {  	[tilespmem:s30], [sflag:$0x2] =	stream.indirect_vreg.gather [hbm4b:s31+s3], $0x80, v4, vm1, $0xb8;
	[tilespmem:$0x1F000] =	vst v63  }
0xb0: {  	s1 =	simm.s32 $0x19400;
	s26 =	sld [smem:$0x7FC]  }
0xb1: {  	[tilespmem:s1], [sflag:$0x2] =	stream.indirect_vreg.gather [hbm4b:s15+s3], $0x80, v4, vm1, $0xb8;
	[tilespmem:$0x1F000] =	vst v63  }
0xb2: {  	s17 =	simm.s32 $0x19C00  }
0xb3: {  	[tilespmem:s17], [sflag:$0x2] =	stream.indirect_vreg.gather [hbm4b:s26+s3], $0x80, v4, vm1, $0xb8;
	[tilespmem:$0x1F000] =	vst v63  }
0xb4: {  	s30 =	simm.s32 $0x1A400  }
0xb5: {  	[tilespmem:s30], [sflag:$0x2] =	stream.indirect_vreg.gather [hbm4b:s7+s3], $0x80, v4, vm1, $0xb8;
	[tilespmem:$0x1F000] =	vst v63  }
0xb6: {  	s31 =	simm.s32 $0x1AC00  }
0xb7: {  	[tilespmem:s31], [sflag:$0x2] =	stream.indirect_vreg.gather [hbm4b:s25+s3], $0x80, v4, vm1, $0xb8;
	[tilespmem:$0x1F000] =	vst v63  }
0xb8: {  	s1 =	simm.s32 $0x1B400  }
0xb9: {  	[tilespmem:s1], [sflag:$0x2] =	stream.indirect_vreg.gather [hbm4b:s19+s3], $0x80, v4, vm1, $0xb8;
	[tilespmem:$0x1F000] =	vst v63  }
0xba: {  	s15 =	simm.s32 $0x1BC00  }
0xbb: {  	[tilespmem:s15], [sflag:$0x2] =	stream.indirect_vreg.gather [hbm4b:s2+s3], $0x80, v4, vm1, $0xb8;
	[tilespmem:$0x1F000] =	vst v63  }
0xbc: {  	s17 =	simm.s32 $0x1C400  }
0xbd: {  	[tilespmem:s17], [sflag:$0x2] =	stream.indirect_vreg.gather [hbm4b:s14+s3], $0x80, v4, vm1, $0xb8;
	[tilespmem:$0x1F000] =	vst v63  }
0xbe: {  	s26 =	simm.s32 $0x1CC00  }
0xbf: {  	[tilespmem:s26], [sflag:$0x2] =	stream.indirect_vreg.gather [hbm4b:s13+s3], $0x80, v4, vm1, $0xb8;
	[tilespmem:$0x1F000] =	vst v63  }
0xc0: {  	s30 =	simm.s32 $0x1D400  }
0xc1: {  	[tilespmem:s30], [sflag:$0x2] =	stream.indirect_vreg.gather [hbm4b:s12+s3], $0x80, v4, vm1, $0xb8;
	[tilespmem:$0x1F000] =	vst v63  }
0xc2: {  	s31 =	simm.s32 $0x1DC00  }
0xc3: {  	[tilespmem:s31], [sflag:$0x2] =	stream.indirect_vreg.gather [hbm4b:s11+s3], $0x80, v4, vm1, $0xb8;
	[tilespmem:$0x1F000] =	vst v63  }
0xc4: {  	s1 =	simm.s32 $0x1E400;
	s15 =	simm.s32 $0x1  }
0xc5: {  	[tilespmem:s1], [sflag:$0x2] =	stream.indirect_vreg.gather [hbm4b:s6+s3], $0x80, v4, vm2, $0xb8;
	[tilespmem:$0x1F000] =	vst v63  }
0xc6: {  	_ =	swait.ge [sflag:s15], $0x13C00  }
0xc7: {  	[sflag:s15] =	ssyncset.done $0x0  }
0xc8: {  	[sflag:s15] =	ssyncadd.s32 $0xFFFEC400  }
0xc9: {  	v4 =	vld [tilespmem:$0x14800]  }
0xca: {  	v5 =	vld [tilespmem:$0x14880]  }
0xcb: {  	v6 =	vld [tilespmem:$0x14900]  }
0xcc: {  	v7 =	vld [tilespmem:$0x14980]  }
0xcd: {  	v8 =	vld [tilespmem:$0x14A00]  }
0xce: {  	v61 =	vld [tilespmem:$0x14B80];
	[tilespmem:$0x1EA00] =	vst v4  }
0xcf: {  	v4 =	vld [tilespmem:$0x14A80];
	[tilespmem:$0x1EA80] =	vst v5  }
0xd0: {  	v5 =	vld [tilespmem:$0x14B00];
	[tilespmem:$0x1EB00] =	vst v6  }
0xd1: {  	[tilespmem:$0x1EB80] =	vst v7  }
0xd2: {  	[tilespmem:$0x1EC00] =	vst v8  }
0xd3: {  	[tilespmem:$0x1ED80] =	vst v61  }
0xd4: {  	[tilespmem:$0x1EC80] =	vst v4  }
0xd5: {  	s26 =	simm.s32 $0x1000;
	s17 =	rddreg [dreg:$0x8];
	[tilespmem:$0x1ED00] =	vst v5  }
0xd6: {  	[hbm4b:s17+s3] =	stream.linear.scatter [tilespmem:s26], [sflag:$0x3], $0x13800, $0x38;
	[tilespmem:$0x1F000] =	vst v63  }
0xd7: {  	s31 =	simm.s32 $0x1EA00;
	s30 =	rddreg [dreg:$0x9]  }
0xd8: {  	[hbm4b:s30+s3] =	stream.linear.scatter [tilespmem:s31], [sflag:$0x5], $0x400, $0x38;
	[tilespmem:$0x1F000] =	vst v63  }
0xd9: {  	s31 =	simm.s32 $0x2  }
0xda: {  	_ =	swait.ge [sflag:s31], $0x9E00  }
0xdb: {  	[sflag:s31] =	ssyncset.done $0x0  }
0xdc: {  	[sflag:s31] =	ssyncadd.s32 $0xFFFF6200  }
0xdd: {  	v4 =	vld [tilespmem:$0x1E800]  }
0xde: {  	v5 =	vld [tilespmem:$0x1E880]  }
0xdf: {  	v62 =	vld [tilespmem:$0x1E900]  }
0xe0: {  	v63 =	vld [tilespmem:$0x1E980];
	_ =	sdelay $0x1  }
0xe1: {  	[tilespmem:$0x1EE00] =	vst v4  }
0xe2: {  	[tilespmem:$0x1EE80] =	vst v5  }
0xe3: {  	s15 =	simm.s32 $0x200;
	s17 =	smov.u32 s2;
	[tilespmem:$0x1EF00] =	vst v62  }
0xe4: {  	s2 =	simm.s32 $0x400;
	s30 =	simm.s32 $0x14C00;
	s0 =	rddreg [dreg:$0xa];
	[tilespmem:$0x1EF80] =	vst v63  }
0xe5: {  	[hbm4b:s0+s15] =	stream.strided.scatter [tilespmem:s30], [sflag:$0x4], $0x9C00, s2, s15, $0x38;
	[tilespmem:$0x1F000] =	vst v63  }
0xe6: {  	s0 =	rddreg [dreg:$0xb];
	s15 =	simm.s32 $0x13C00;
	s30 =	simm.s32 $0x1EE00  }
0xe7: {  	[hbm4b:s0+s2] =	stream.strided.scatter [tilespmem:s30], [sflag:$0x6], $0x0, s15, s2, $0x38;
	[tilespmem:$0x1F000] =	vst v63  }
0xe8: {  	s2 =	simm.s32 $0x3  }
0xe9: {  	[hbm4b:s0+s3] =	stream.linear.scatter [tilespmem:s30], [sflag:$0x6], $0x200, $0x38;
	[tilespmem:$0x1F000] =	vst v63  }
0xea: {  	_ =	swait.ge [sflag:s2], $0x13800  }
0xeb: {  	[sflag:s2] =	ssyncset.done $0x0  }
0xec: {  	[sflag:s2] =	ssyncadd.s32 $0xFFFEC800  }
0xed: {  	v4 =	vld.msk [tilespmem:$0x80], $0xff;
	_ =	sdelay $0x4  }
0xee: {  	v5 =	vshrl.u32 v4, $0x3  }
0xef: {  	v5 =	vmul.u32 $0x278, v5  }
0xf0: {  	v4 =	vand.u32 $0x7, v4  }
0xf1: {  	v4 =	vor.u32 v4, v5  }
0xf2: {  	v4 =	vperm.xlane v4, v0;
	_ =	sdelay $0x1  }
0xf3: {  	v4 =	vadd.s32 v1, v4;
	_ =	sdelay $0x2  }
0xf4: {  	s15 =	rddreg [dreg:$0x1e]  }
0xf5: {  	s0 =	rddreg [dreg:$0x1]  }
0xf6: {  	[tilespmem:s26], [sflag:$0x1] =	stream.indirect_vreg.gather [hbm4b:s0+s3], $0x80, v4, vm1, $0xb8;
	[tilespmem:$0x1F000] =	vst v63  }
0xf7: {  	s30 =	sld [smem:$0x7E6];
	s26 =	simm.s32 $0x1800  }
0xf8: {  	[tilespmem:s26], [sflag:$0x1] =	stream.indirect_vreg.gather [hbm4b:s15+s3], $0x80, v4, vm1, $0xb8;
	[tilespmem:$0x1F000] =	vst v63  }
0xf9: {  	s31 =	simm.s32 $0x2000;
	s1 =	sld [smem:$0x7E7]  }
0xfa: {  	[tilespmem:s31], [sflag:$0x1] =	stream.indirect_vreg.gather [hbm4b:s30+s3], $0x80, v4, vm1, $0xb8;
	[tilespmem:$0x1F000] =	vst v63  }
0xfb: {  	s2 =	simm.s32 $0x2800;
	s15 =	sld [smem:$0x7E8]  }
0xfc: {  	[tilespmem:s2], [sflag:$0x1] =	stream.indirect_vreg.gather [hbm4b:s1+s3], $0x80, v4, vm1, $0xb8;
	[tilespmem:$0x1F000] =	vst v63  }
0xfd: {  	s26 =	simm.s32 $0x3000;
	s30 =	sld [smem:$0x7E9]  }
0xfe: {  	[tilespmem:s26], [sflag:$0x1] =	stream.indirect_vreg.gather [hbm4b:s15+s3], $0x80, v4, vm1, $0xb8;
	[tilespmem:$0x1F000] =	vst v63  }
0xff: {  	s0 =	sld [smem:$0x7F4];
	s31 =	simm.s32 $0x3800  }
0x100: {  	[tilespmem:s31], [sflag:$0x1] =	stream.indirect_vreg.gather [hbm4b:s30+s3], $0x80, v4, vm1, $0xb8;
	[tilespmem:$0x1F000] =	vst v63  }
0x101: {  	s2 =	simm.s32 $0x4000;
	s15 =	rddreg [dreg:$0x1f]  }
0x102: {  	[tilespmem:s2], [sflag:$0x1] =	stream.indirect_vreg.gather [hbm4b:s0+s3], $0x80, v4, vm1, $0xb8;
	[tilespmem:$0x1F000] =	vst v63  }
0x103: {  	s26 =	simm.s32 $0x4800;
	s30 =	sld [smem:$0x7F5]  }
0x104: {  	[tilespmem:s26], [sflag:$0x1] =	stream.indirect_vreg.gather [hbm4b:s15+s3], $0x80, v4, vm1, $0xb8;
	[tilespmem:$0x1F000] =	vst v63  }
0x105: {  	s1 =	sld [smem:$0x7EA];
	s31 =	simm.s32 $0x5000  }
0x106: {  	[tilespmem:s31], [sflag:$0x1] =	stream.indirect_vreg.gather [hbm4b:s30+s3], $0x80, v4, vm1, $0xb8;
	[tilespmem:$0x1F000] =	vst v63  }
0x107: {  	s2 =	simm.s32 $0x5800;
	s15 =	sld [smem:$0x7EB]  }
0x108: {  	[tilespmem:s2], [sflag:$0x1] =	stream.indirect_vreg.gather [hbm4b:s1+s3], $0x80, v4, vm1, $0xb8;
	[tilespmem:$0x1F000] =	vst v63  }
0x109: {  	s26 =	simm.s32 $0x6000;
	s30 =	sld [smem:$0x7EC]  }
0x10a: {  	[tilespmem:s26], [sflag:$0x1] =	stream.indirect_vreg.gather [hbm4b:s15+s3], $0x80, v4, vm1, $0xb8;
	[tilespmem:$0x1F000] =	vst v63  }
0x10b: {  	s31 =	simm.s32 $0x6800;
	s1 =	sld [smem:$0x7F6]  }
0x10c: {  	[tilespmem:s31], [sflag:$0x1] =	stream.indirect_vreg.gather [hbm4b:s30+s3], $0x80, v4, vm1, $0xb8;
	[tilespmem:$0x1F000] =	vst v63  }
0x10d: {  	s2 =	simm.s32 $0x7000;
	s15 =	sld [smem:$0x7ED]  }
0x10e: {  	[tilespmem:s2], [sflag:$0x1] =	stream.indirect_vreg.gather [hbm4b:s1+s3], $0x80, v4, vm1, $0xb8;
	[tilespmem:$0x1F000] =	vst v63  }
0x10f: {  	s26 =	simm.s32 $0x7800;
	s30 =	rddreg [dreg:$0x11]  }
0x110: {  	[tilespmem:s26], [sflag:$0x1] =	stream.indirect_vreg.gather [hbm4b:s15+s3], $0x80, v4, vm1, $0xb8;
	[tilespmem:$0x1F000] =	vst v63  }
0x111: {  	s31 =	simm.s32 $0x8000;
	s1 =	sld [smem:$0x7EE]  }
0x112: {  	[tilespmem:s31], [sflag:$0x1] =	stream.indirect_vreg.gather [hbm4b:s30+s3], $0x80, v4, vm1, $0xb8;
	[tilespmem:$0x1F000] =	vst v63  }
0x113: {  	s2 =	simm.s32 $0x8800;
	s15 =	sld [smem:$0x7F7]  }
0x114: {  	[tilespmem:s2], [sflag:$0x1] =	stream.indirect_vreg.gather [hbm4b:s1+s3], $0x80, v4, vm1, $0xb8;
	[tilespmem:$0x1F000] =	vst v63  }
0x115: {  	s26 =	simm.s32 $0x9000;
	s30 =	sld [smem:$0x7EF]  }
0x116: {  	[tilespmem:s26], [sflag:$0x1] =	stream.indirect_vreg.gather [hbm4b:s15+s3], $0x80, v4, vm1, $0xb8;
	[tilespmem:$0x1F000] =	vst v63  }
0x117: {  	s31 =	simm.s32 $0x9800;
	s1 =	sld [smem:$0x7F8]  }
0x118: {  	[tilespmem:s31], [sflag:$0x1] =	stream.indirect_vreg.gather [hbm4b:s30+s3], $0x80, v4, vm1, $0xb8;
	[tilespmem:$0x1F000] =	vst v63  }
0x119: {  	s2 =	simm.s32 $0xA000;
	s15 =	sld [smem:$0x7F0]  }
0x11a: {  	[tilespmem:s2], [sflag:$0x1] =	stream.indirect_vreg.gather [hbm4b:s1+s3], $0x80, v4, vm1, $0xb8;
	[tilespmem:$0x1F000] =	vst v63  }
0x11b: {  	s26 =	simm.s32 $0xA800;
	s31 =	sld [smem:$0x7FC]  }
0x11c: {  	[tilespmem:s26], [sflag:$0x1] =	stream.indirect_vreg.gather [hbm4b:s15+s3], $0x80, v4, vm1, $0xb8;
	[tilespmem:$0x1F000] =	vst v63  }
0x11d: {  	s30 =	simm.s32 $0xB000;
	s1 =	sld [smem:$0x7F1]  }
0x11e: {  	[tilespmem:s30], [sflag:$0x1] =	stream.indirect_vreg.gather [hbm4b:s31+s3], $0x80, v4, vm1, $0xb8;
	[tilespmem:$0x1F000] =	vst v63  }
0x11f: {  	s2 =	simm.s32 $0xB800;
	s26 =	sld [smem:$0x7FB]  }
0x120: {  	[tilespmem:s2], [sflag:$0x1] =	stream.indirect_vreg.gather [hbm4b:s1+s3], $0x80, v4, vm1, $0xb8;
	[tilespmem:$0x1F000] =	vst v63  }
0x121: {  	s15 =	simm.s32 $0xC000;
	s30 =	sld [smem:$0x7F2]  }
0x122: {  	[tilespmem:s15], [sflag:$0x1] =	stream.indirect_vreg.gather [hbm4b:s26+s3], $0x80, v4, vm1, $0xb8;
	[tilespmem:$0x1F000] =	vst v63  }
0x123: {  	s31 =	simm.s32 $0xC800;
	s2 =	sld [smem:$0x7FA]  }
0x124: {  	[tilespmem:s31], [sflag:$0x1] =	stream.indirect_vreg.gather [hbm4b:s30+s3], $0x80, v4, vm1, $0xb8;
	[tilespmem:$0x1F000] =	vst v63  }
0x125: {  	s1 =	simm.s32 $0xD000;
	s15 =	sld [smem:$0x7FD]  }
0x126: {  	[tilespmem:s1], [sflag:$0x1] =	stream.indirect_vreg.gather [hbm4b:s2+s3], $0x80, v4, vm1, $0xb8;
	[tilespmem:$0x1F000] =	vst v63  }
0x127: {  	s30 =	simm.s32 $0xD800;
	s1 =	sld [smem:$0x7F9]  }
0x128: {  	[tilespmem:s30], [sflag:$0x1] =	stream.indirect_vreg.gather [hbm4b:s15+s3], $0x80, v4, vm1, $0xb8;
	[tilespmem:$0x1F000] =	vst v63  }
0x129: {  	s31 =	simm.s32 $0xE000  }
0x12a: {  	[tilespmem:s31], [sflag:$0x1] =	stream.indirect_vreg.gather [hbm4b:s1+s3], $0x80, v4, vm1, $0xb8;
	[tilespmem:$0x1F000] =	vst v63  }
0x12b: {  	s15 =	rddreg [dreg:$0x12];
	s30 =	simm.s32 $0xE800  }
0x12c: {  	[tilespmem:s30], [sflag:$0x1] =	stream.indirect_vreg.gather [hbm4b:s15+s3], $0x80, v4, vm1, $0xb8;
	[tilespmem:$0x1F000] =	vst v63  }
0x12d: {  	s31 =	simm.s32 $0xF000  }
0x12e: {  	[tilespmem:s31], [sflag:$0x1] =	stream.indirect_vreg.gather [hbm4b:s17+s3], $0x80, v4, vm1, $0xb8;
	[tilespmem:$0x1F000] =	vst v63  }
0x12f: {  	s15 =	simm.s32 $0xF800  }
0x130: {  	[tilespmem:s15], [sflag:$0x1] =	stream.indirect_vreg.gather [hbm4b:s18+s3], $0x80, v4, vm1, $0xb8;
	[tilespmem:$0x1F000] =	vst v63  }
0x131: {  	s30 =	simm.s32 $0x10000  }
0x132: {  	[tilespmem:s30], [sflag:$0x1] =	stream.indirect_vreg.gather [hbm4b:s14+s3], $0x80, v4, vm1, $0xb8;
	[tilespmem:$0x1F000] =	vst v63  }
0x133: {  	s31 =	simm.s32 $0x10800  }
0x134: {  	[tilespmem:s31], [sflag:$0x1] =	stream.indirect_vreg.gather [hbm4b:s23+s3], $0x80, v4, vm1, $0xb8;
	[tilespmem:$0x1F000] =	vst v63  }
0x135: {  	s15 =	simm.s32 $0x11000  }
0x136: {  	[tilespmem:s15], [sflag:$0x1] =	stream.indirect_vreg.gather [hbm4b:s13+s3], $0x80, v4, vm1, $0xb8;
	[tilespmem:$0x1F000] =	vst v63  }
0x137: {  	s18 =	simm.s32 $0x11800  }
0x138: {  	[tilespmem:s18], [sflag:$0x1] =	stream.indirect_vreg.gather [hbm4b:s22+s3], $0x80, v4, vm1, $0xb8;
	[tilespmem:$0x1F000] =	vst v63  }
0x139: {  	s22 =	simm.s32 $0x12000  }
0x13a: {  	[tilespmem:s22], [sflag:$0x1] =	stream.indirect_vreg.gather [hbm4b:s12+s3], $0x80, v4, vm1, $0xb8;
	[tilespmem:$0x1F000] =	vst v63  }
0x13b: {  	s23 =	simm.s32 $0x12800  }
0x13c: {  	[tilespmem:s23], [sflag:$0x1] =	stream.indirect_vreg.gather [hbm4b:s28+s3], $0x80, v4, vm1, $0xb8;
	[tilespmem:$0x1F000] =	vst v63  }
0x13d: {  	s30 =	simm.s32 $0x13000  }
0x13e: {  	[tilespmem:s30], [sflag:$0x1] =	stream.indirect_vreg.gather [hbm4b:s11+s3], $0x80, v4, vm1, $0xb8;
	[tilespmem:$0x1F000] =	vst v63  }
0x13f: {  	s31 =	simm.s32 $0x13800  }
0x140: {  	[tilespmem:s31], [sflag:$0x1] =	stream.indirect_vreg.gather [hbm4b:s29+s3], $0x80, v4, vm1, $0xb8;
	[tilespmem:$0x1F000] =	vst v63  }
0x141: {  	s15 =	simm.s32 $0x14000  }
0x142: {  	[tilespmem:s15], [sflag:$0x1] =	stream.indirect_vreg.gather [hbm4b:s6+s3], $0x80, v4, vm1, $0xb8;
	[tilespmem:$0x1F000] =	vst v63  }
0x143: {  	s18 =	simm.s32 $0x14800;
	s22 =	simm.s32 $0x4  }
0x144: {  	[tilespmem:s18], [sflag:$0x1] =	stream.indirect_vreg.gather [hbm4b:s16+s3], $0x80, v4, vm0, $0xb8;
	[tilespmem:$0x1F000] =	vst v63  }
0x145: {  	_ =	swait.ge [sflag:s22], $0x9C00  }
0x146: {  	[sflag:s22] =	ssyncset.done $0x0  }
0x147: {  	[sflag:s22] =	ssyncadd.s32 $0xFFFF6400  }
0x148: {  	v4 =	vld.msk [tilespmem:$0x88], $0xf;
	_ =	sdelay $0x4  }
0x149: {  	v5 =	vshrl.u32 v4, $0x3  }
0x14a: {  	v5 =	vmul.u32 $0x278, v5  }
0x14b: {  	v4 =	vand.u32 $0x7, v4  }
0x14c: {  	v4 =	vor.u32 v4, v5  }
0x14d: {  	v4 =	vperm.xlane v4, v2;
	_ =	sdelay $0x1  }
0x14e: {  	v4 =	vadd.s32 v3, v4;
	_ =	sdelay $0x2  }
0x14f: {  	s30 =	sld [smem:$0x7E6]  }
0x150: {  	s23 =	simm.s32 $0x14C00;
	s28 =	rddreg [dreg:$0x1]  }
0x151: {  	[tilespmem:s23], [sflag:$0x2] =	stream.indirect_vreg.gather [hbm4b:s28+s3], $0x80, v4, vm1, $0xb8;
	[tilespmem:$0x1F000] =	vst v63  }
0x152: {  	s29 =	simm.s32 $0x15400;
	s15 =	sld [smem:$0x7E8]  }
0x153: {  	[tilespmem:s29], [sflag:$0x2] =	stream.indirect_vreg.gather [hbm4b:s30+s3], $0x80, v4, vm1, $0xb8;
	[tilespmem:$0x1F000] =	vst v63  }
0x154: {  	s31 =	simm.s32 $0x15C00;
	s22 =	sld [smem:$0x7F4]  }
0x155: {  	[tilespmem:s31], [sflag:$0x2] =	stream.indirect_vreg.gather [hbm4b:s15+s3], $0x80, v4, vm1, $0xb8;
	[tilespmem:$0x1F000] =	vst v63  }
0x156: {  	s18 =	simm.s32 $0x16400;
	s23 =	sld [smem:$0x7F5]  }
0x157: {  	[tilespmem:s18], [sflag:$0x2] =	stream.indirect_vreg.gather [hbm4b:s22+s3], $0x80, v4, vm1, $0xb8;
	[tilespmem:$0x1F000] =	vst v63  }
0x158: {  	s28 =	simm.s32 $0x16C00;
	s29 =	sld [smem:$0x7EB]  }
0x159: {  	[tilespmem:s28], [sflag:$0x2] =	stream.indirect_vreg.gather [hbm4b:s23+s3], $0x80, v4, vm1, $0xb8;
	[tilespmem:$0x1F000] =	vst v63  }
0x15a: {  	s30 =	simm.s32 $0x17400;
	s31 =	sld [smem:$0x7F6]  }
0x15b: {  	[tilespmem:s30], [sflag:$0x2] =	stream.indirect_vreg.gather [hbm4b:s29+s3], $0x80, v4, vm1, $0xb8;
	[tilespmem:$0x1F000] =	vst v63  }
0x15c: {  	s15 =	simm.s32 $0x17C00;
	s18 =	rddreg [dreg:$0x11]  }
0x15d: {  	[tilespmem:s15], [sflag:$0x2] =	stream.indirect_vreg.gather [hbm4b:s31+s3], $0x80, v4, vm1, $0xb8;
	[tilespmem:$0x1F000] =	vst v63  }
0x15e: {  	s22 =	simm.s32 $0x18400;
	s23 =	sld [smem:$0x7F7]  }
0x15f: {  	[tilespmem:s22], [sflag:$0x2] =	stream.indirect_vreg.gather [hbm4b:s18+s3], $0x80, v4, vm1, $0xb8;
	[tilespmem:$0x1F000] =	vst v63  }
0x160: {  	s28 =	simm.s32 $0x18C00;
	s29 =	sld [smem:$0x7F8]  }
0x161: {  	[tilespmem:s28], [sflag:$0x2] =	stream.indirect_vreg.gather [hbm4b:s23+s3], $0x80, v4, vm1, $0xb8;
	[tilespmem:$0x1F000] =	vst v63  }
0x162: {  	s30 =	simm.s32 $0x19400;
	s15 =	sld [smem:$0x7FC]  }
0x163: {  	[tilespmem:s30], [sflag:$0x2] =	stream.indirect_vreg.gather [hbm4b:s29+s3], $0x80, v4, vm1, $0xb8;
	[tilespmem:$0x1F000] =	vst v63  }
0x164: {  	s31 =	simm.s32 $0x19C00  }
0x165: {  	[tilespmem:s31], [sflag:$0x2] =	stream.indirect_vreg.gather [hbm4b:s15+s3], $0x80, v4, vm1, $0xb8;
	[tilespmem:$0x1F000] =	vst v63  }
0x166: {  	s16 =	simm.s32 $0x1A400  }
0x167: {  	[tilespmem:s16], [sflag:$0x2] =	stream.indirect_vreg.gather [hbm4b:s26+s3], $0x80, v4, vm1, $0xb8;
	[tilespmem:$0x1F000] =	vst v63  }
0x168: {  	s18 =	simm.s32 $0x1AC00  }
0x169: {  	[tilespmem:s18], [sflag:$0x2] =	stream.indirect_vreg.gather [hbm4b:s2+s3], $0x80, v4, vm1, $0xb8;
	[tilespmem:$0x1F000] =	vst v63  }
0x16a: {  	s22 =	simm.s32 $0x1B400  }
0x16b: {  	[tilespmem:s22], [sflag:$0x2] =	stream.indirect_vreg.gather [hbm4b:s1+s3], $0x80, v4, vm1, $0xb8;
	[tilespmem:$0x1F000] =	vst v63  }
0x16c: {  	s23 =	simm.s32 $0x1BC00  }
0x16d: {  	[tilespmem:s23], [sflag:$0x2] =	stream.indirect_vreg.gather [hbm4b:s17+s3], $0x80, v4, vm1, $0xb8;
	[tilespmem:$0x1F000] =	vst v63  }
0x16e: {  	s26 =	simm.s32 $0x1C400  }
0x16f: {  	[tilespmem:s26], [sflag:$0x2] =	stream.indirect_vreg.gather [hbm4b:s14+s3], $0x80, v4, vm1, $0xb8;
	[tilespmem:$0x1F000] =	vst v63  }
0x170: {  	s28 =	simm.s32 $0x1CC00  }
0x171: {  	[tilespmem:s28], [sflag:$0x2] =	stream.indirect_vreg.gather [hbm4b:s13+s3], $0x80, v4, vm1, $0xb8;
	[tilespmem:$0x1F000] =	vst v63  }
0x172: {  	s29 =	simm.s32 $0x1D400  }
0x173: {  	[tilespmem:s29], [sflag:$0x2] =	stream.indirect_vreg.gather [hbm4b:s12+s3], $0x80, v4, vm1, $0xb8;
	[tilespmem:$0x1F000] =	vst v63  }
0x174: {  	s30 =	simm.s32 $0x1DC00  }
0x175: {  	[tilespmem:s30], [sflag:$0x2] =	stream.indirect_vreg.gather [hbm4b:s11+s3], $0x80, v4, vm1, $0xb8;
	[tilespmem:$0x1F000] =	vst v63  }
0x176: {  	s31 =	simm.s32 $0x1E400;
	s1 =	simm.s32 $0x0;
	s14 =	simm.s32 $0x108  }
0x177: {  	[tilespmem:s31], [sflag:$0x2] =	stream.indirect_vreg.gather [hbm4b:s6+s3], $0x80, v4, vm2, $0xb8;
	[tilespmem:$0x1F000] =	vst v63  }
.LBB2_2:
0x178: {  	s0 =	simm.s32 $0x1  }
0x179: {  	_ =	swait.ge [sflag:s0], $0x13C00  }
0x17a: {  	[sflag:s0] =	ssyncset.done $0x0  }
0x17b: {  	s30 =	simm.s32 $0x5;
	[sflag:s0] =	ssyncadd.s32 $0xFFFEC400  }
0x17c: {  	_ =	swait.ge [sflag:s30], $0x400  }
0x17d: {  	[sflag:s30] =	ssyncset.done $0x0  }
0x17e: {  	[sflag:s30] =	ssyncadd.s32 $0xFFFFFC00  }
0x17f: {  	v4 =	vld [tilespmem:$0x14800]  }
0x180: {  	v5 =	vld [tilespmem:$0x14880]  }
0x181: {  	v6 =	vld [tilespmem:$0x14900]  }
0x182: {  	v7 =	vld [tilespmem:$0x14980]  }
0x183: {  	v8 =	vld [tilespmem:$0x14A00]  }
0x184: {  	v61 =	vld [tilespmem:$0x14B80];
	[tilespmem:$0x1EA00] =	vst v4  }
0x185: {  	v4 =	vld [tilespmem:$0x14A80];
	[tilespmem:$0x1EA80] =	vst v5  }
0x186: {  	v5 =	vld [tilespmem:$0x14B00];
	[tilespmem:$0x1EB00] =	vst v6  }
0x187: {  	[tilespmem:$0x1EB80] =	vst v7  }
0x188: {  	[tilespmem:$0x1EC00] =	vst v8  }
0x189: {  	[tilespmem:$0x1ED80] =	vst v61  }
0x18a: {  	s23 =	smov.u32 s5;
	s15 =	smov.u32 s9;
	s17 =	rddreg [dreg:$0x3];
	[tilespmem:$0x1EC80] =	vst v4  }
0x18b: {  	s2 =	simm.s32 $0x1000;
	s31 =	rddreg [dreg:$0x4];
	s17 =	sadd.s32 s1, s17;
	[tilespmem:$0x1ED00] =	vst v5  }
0x18c: {  	[hbm4b:s17+s3] =	stream.linear.scatter [tilespmem:s2], [sflag:$0x3], $0x13800, $0x38;
	[tilespmem:$0x1F000] =	vst v63  }
0x18d: {  	s6 =	simm.s32 $0x1EA00;
	s9 =	simm.s32 $0x2;
	s5 =	sadd.s32 s1, s31  }
0x18e: {  	[hbm4b:s5+s3] =	stream.linear.scatter [tilespmem:s6], [sflag:$0x5], $0x400, $0x38;
	[tilespmem:$0x1F000] =	vst v63  }
0x18f: {  	_ =	swait.ge [sflag:s9], $0x9E00  }
0x190: {  	[sflag:s9] =	ssyncset.done $0x0  }
0x191: {  	s12 =	smov.u32 s10;
	s10 =	simm.s32 $0x6;
	[sflag:s9] =	ssyncadd.s32 $0xFFFF6200  }
0x192: {  	_ =	swait.ge [sflag:s10], $0x200  }
0x193: {  	[sflag:s10] =	ssyncset.done $0x0;
	s13 =	rddreg [dreg:$0x5]  }
0x194: {  	s16 =	rddreg [dreg:$0x6];
	[sflag:s10] =	ssyncadd.s32 $0xFFFFFE00  }
0x195: {  	s9 =	rddreg [dreg:$0x1f];
	v4 =	vld [tilespmem:$0x1E800]  }
0x196: {  	s11 =	smov.u32 s25;
	s25 =	sld [smem:$0x7F2];
	v5 =	vld [tilespmem:$0x1E880]  }
0x197: {  	s30 =	smov.u32 s24;
	s24 =	smov.u32 s4;
	s4 =	sld [smem:$0x7EF];
	v62 =	vld [tilespmem:$0x1E900]  }
0x198: {  	s28 =	sld [smem:$0x7EE];
	v63 =	vld [tilespmem:$0x1E980]  }
0x199: {  	s29 =	smov.u32 s19;
	s19 =	rddreg [dreg:$0x1e]  }
0x19a: {  	s18 =	smov.u32 s20;
	s5 =	smov.u32 s8;
	s8 =	sld [smem:$0x7E6];
	[tilespmem:$0x1EE00] =	vst v4  }
0x19b: {  	s20 =	simm.s32 $0x14C00;
	s2 =	smov.u32 s7;
	s7 =	rddreg [dreg:$0x12];
	[tilespmem:$0x1EE80] =	vst v5  }
0x19c: {  	s0 =	smov.u32 s21;
	s17 =	sadd.s32 s1, s13;
	s13 =	sld [smem:$0x7ED];
	[tilespmem:$0x1EF00] =	vst v62  }
0x19d: {  	s21 =	simm.s32 $0x200;
	s6 =	simm.s32 $0x400;
	s10 =	sld [smem:$0x7E8];
	[tilespmem:$0x1EF80] =	vst v63  }
0x19e: {  	[hbm4b:s17+s21] =	stream.strided.scatter [tilespmem:s20], [sflag:$0x4], $0x9C00, s6, s21, $0x38;
	[tilespmem:$0x1F000] =	vst v63  }
0x19f: {  	s20 =	sld [smem:$0x7F1]  }
0x1a0: {  	s26 =	simm.s32 $0x13C00;
	s21 =	sld [smem:$0x7F0]  }
0x1a1: {  	s22 =	sadd.s32 s1, s16;
	s16 =	simm.s32 $0x1EE00;
	s17 =	rddreg [dreg:$0x11]  }
0x1a2: {  	[hbm4b:s22+s6] =	stream.strided.scatter [tilespmem:s16], [sflag:$0x6], $0x0, s26, s6, $0x38;
	[tilespmem:$0x1F000] =	vst v63  }
0x1a3: {  	s6 =	sld [smem:$0x7E9]  }
0x1a4: {  	s26 =	sld [smem:$0x7EC]  }
0x1a5: {  	[hbm4b:s22+s3] =	stream.linear.scatter [tilespmem:s16], [sflag:$0x6], $0x200, $0x38;
	[tilespmem:$0x1F000] =	vst v63  }
0x1a6: {  	s31 =	simm.s32 $0x3;
	s22 =	sld [smem:$0x7E7]  }
0x1a7: {  	s16 =	sld [smem:$0x7EA];
	_ =	swait.ge [sflag:s31], $0x13800  }
0x1a8: {  	[sflag:s31] =	ssyncset.done $0x0  }
0x1a9: {  	[sflag:s31] =	ssyncadd.s32 $0xFFFEC800  }
0x1aa: {  	v4 =	vld.msk [tilespmem:s14+$0xFFFFFFF8], $0xff;
	_ =	sdelay $0x4  }
0x1ab: {  	v5 =	vshrl.u32 v4, $0x3  }
0x1ac: {  	v5 =	vmul.u32 $0x278, v5  }
0x1ad: {  	v4 =	vand.u32 $0x7, v4  }
0x1ae: {  	v4 =	vor.u32 v4, v5  }
0x1af: {  	v4 =	vperm.xlane v4, v0;
	_ =	sdelay $0x1  }
0x1b0: {  	v4 =	vadd.s32 v1, v4;
	_ =	sdelay $0x3  }
0x1b1: {  	s31 =	simm.s32 $0x1000  }
0x1b2: {  	[tilespmem:s31], [sflag:$0x1] =	stream.indirect_vreg.gather [hbm4b:s24+s3], $0x80, v4, vm1, $0xb8;
	[tilespmem:$0x1F000] =	vst v63  }
0x1b3: {  	s31 =	simm.s32 $0x1800  }
0x1b4: {  	[tilespmem:s31], [sflag:$0x1] =	stream.indirect_vreg.gather [hbm4b:s19+s3], $0x80, v4, vm1, $0xb8;
	[tilespmem:$0x1F000] =	vst v63  }
0x1b5: {  	s31 =	simm.s32 $0x2000  }
0x1b6: {  	[tilespmem:s31], [sflag:$0x1] =	stream.indirect_vreg.gather [hbm4b:s8+s3], $0x80, v4, vm1, $0xb8;
	[tilespmem:$0x1F000] =	vst v63  }
0x1b7: {  	s31 =	simm.s32 $0x2800  }
0x1b8: {  	[tilespmem:s31], [sflag:$0x1] =	stream.indirect_vreg.gather [hbm4b:s22+s3], $0x80, v4, vm1, $0xb8;
	[tilespmem:$0x1F000] =	vst v63  }
0x1b9: {  	s22 =	simm.s32 $0x3000  }
0x1ba: {  	[tilespmem:s22], [sflag:$0x1] =	stream.indirect_vreg.gather [hbm4b:s10+s3], $0x80, v4, vm1, $0xb8;
	[tilespmem:$0x1F000] =	vst v63  }
0x1bb: {  	s31 =	simm.s32 $0x3800  }
0x1bc: {  	[tilespmem:s31], [sflag:$0x1] =	stream.indirect_vreg.gather [hbm4b:s6+s3], $0x80, v4, vm1, $0xb8;
	[tilespmem:$0x1F000] =	vst v63  }
0x1bd: {  	s19 =	simm.s32 $0x4000  }
0x1be: {  	[tilespmem:s19], [sflag:$0x1] =	stream.indirect_vreg.gather [hbm4b:s12+s3], $0x80, v4, vm1, $0xb8;
	[tilespmem:$0x1F000] =	vst v63  }
0x1bf: {  	s22 =	simm.s32 $0x4800  }
0x1c0: {  	[tilespmem:s22], [sflag:$0x1] =	stream.indirect_vreg.gather [hbm4b:s9+s3], $0x80, v4, vm1, $0xb8;
	[tilespmem:$0x1F000] =	vst v63  }
0x1c1: {  	s31 =	simm.s32 $0x5000  }
0x1c2: {  	[tilespmem:s31], [sflag:$0x1] =	stream.indirect_vreg.gather [hbm4b:s5+s3], $0x80, v4, vm1, $0xb8;
	[tilespmem:$0x1F000] =	vst v63  }
0x1c3: {  	s19 =	sld [smem:$0x7EB];
	s9 =	simm.s32 $0x5800  }
0x1c4: {  	[tilespmem:s9], [sflag:$0x1] =	stream.indirect_vreg.gather [hbm4b:s16+s3], $0x80, v4, vm1, $0xb8;
	[tilespmem:$0x1F000] =	vst v63  }
0x1c5: {  	s16 =	simm.s32 $0x6000  }
0x1c6: {  	[tilespmem:s16], [sflag:$0x1] =	stream.indirect_vreg.gather [hbm4b:s19+s3], $0x80, v4, vm1, $0xb8;
	[tilespmem:$0x1F000] =	vst v63  }
0x1c7: {  	s22 =	simm.s32 $0x6800  }
0x1c8: {  	[tilespmem:s22], [sflag:$0x1] =	stream.indirect_vreg.gather [hbm4b:s26+s3], $0x80, v4, vm1, $0xb8;
	[tilespmem:$0x1F000] =	vst v63  }
0x1c9: {  	s31 =	simm.s32 $0x7000  }
0x1ca: {  	[tilespmem:s31], [sflag:$0x1] =	stream.indirect_vreg.gather [hbm4b:s30+s3], $0x80, v4, vm1, $0xb8;
	[tilespmem:$0x1F000] =	vst v63  }
0x1cb: {  	s9 =	simm.s32 $0x7800  }
0x1cc: {  	[tilespmem:s9], [sflag:$0x1] =	stream.indirect_vreg.gather [hbm4b:s13+s3], $0x80, v4, vm1, $0xb8;
	[tilespmem:$0x1F000] =	vst v63  }
0x1cd: {  	s16 =	simm.s32 $0x8000  }
0x1ce: {  	[tilespmem:s16], [sflag:$0x1] =	stream.indirect_vreg.gather [hbm4b:s17+s3], $0x80, v4, vm1, $0xb8;
	[tilespmem:$0x1F000] =	vst v63  }
0x1cf: {  	s22 =	simm.s32 $0x8800  }
0x1d0: {  	[tilespmem:s22], [sflag:$0x1] =	stream.indirect_vreg.gather [hbm4b:s28+s3], $0x80, v4, vm1, $0xb8;
	[tilespmem:$0x1F000] =	vst v63  }
0x1d1: {  	s26 =	simm.s32 $0x9000  }
0x1d2: {  	[tilespmem:s26], [sflag:$0x1] =	stream.indirect_vreg.gather [hbm4b:s0+s3], $0x80, v4, vm1, $0xb8;
	[tilespmem:$0x1F000] =	vst v63  }
0x1d3: {  	s31 =	simm.s32 $0x9800  }
0x1d4: {  	[tilespmem:s31], [sflag:$0x1] =	stream.indirect_vreg.gather [hbm4b:s4+s3], $0x80, v4, vm1, $0xb8;
	[tilespmem:$0x1F000] =	vst v63  }
0x1d5: {  	s6 =	simm.s32 $0xA000  }
0x1d6: {  	[tilespmem:s6], [sflag:$0x1] =	stream.indirect_vreg.gather [hbm4b:s18+s3], $0x80, v4, vm1, $0xb8;
	[tilespmem:$0x1F000] =	vst v63  }
0x1d7: {  	s9 =	simm.s32 $0xA800  }
0x1d8: {  	[tilespmem:s9], [sflag:$0x1] =	stream.indirect_vreg.gather [hbm4b:s21+s3], $0x80, v4, vm1, $0xb8;
	[tilespmem:$0x1F000] =	vst v63  }
0x1d9: {  	s13 =	simm.s32 $0xB000  }
0x1da: {  	[tilespmem:s13], [sflag:$0x1] =	stream.indirect_vreg.gather [hbm4b:s23+s3], $0x80, v4, vm1, $0xb8;
	[tilespmem:$0x1F000] =	vst v63  }
0x1db: {  	s16 =	simm.s32 $0xB800  }
0x1dc: {  	[tilespmem:s16], [sflag:$0x1] =	stream.indirect_vreg.gather [hbm4b:s20+s3], $0x80, v4, vm1, $0xb8;
	[tilespmem:$0x1F000] =	vst v63  }
0x1dd: {  	s21 =	simm.s32 $0xC000  }
0x1de: {  	[tilespmem:s21], [sflag:$0x1] =	stream.indirect_vreg.gather [hbm4b:s2+s3], $0x80, v4, vm1, $0xb8;
	[tilespmem:$0x1F000] =	vst v63  }
0x1df: {  	s22 =	simm.s32 $0xC800  }
0x1e0: {  	[tilespmem:s22], [sflag:$0x1] =	stream.indirect_vreg.gather [hbm4b:s25+s3], $0x80, v4, vm1, $0xb8;
	[tilespmem:$0x1F000] =	vst v63  }
0x1e1: {  	s25 =	simm.s32 $0xD000  }
0x1e2: {  	[tilespmem:s25], [sflag:$0x1] =	stream.indirect_vreg.gather [hbm4b:s11+s3], $0x80, v4, vm1, $0xb8;
	[tilespmem:$0x1F000] =	vst v63  }
0x1e3: {  	s26 =	simm.s32 $0xD800  }
0x1e4: {  	[tilespmem:s26], [sflag:$0x1] =	stream.indirect_vreg.gather [hbm4b:s15+s3], $0x80, v4, vm1, $0xb8;
	[tilespmem:$0x1F000] =	vst v63  }
0x1e5: {  	s31 =	simm.s32 $0xE000  }
0x1e6: {  	[tilespmem:s31], [sflag:$0x1] =	stream.indirect_vreg.gather [hbm4b:s29+s3], $0x80, v4, vm1, $0xb8;
	[tilespmem:$0x1F000] =	vst v63  }
0x1e7: {  	s6 =	simm.s32 $0xE800;
	s26 =	sld [smem:$0x7F3]  }
0x1e8: {  	[tilespmem:s6], [sflag:$0x1] =	stream.indirect_vreg.gather [hbm4b:s7+s3], $0x80, v4, vm1, $0xb8;
	[tilespmem:$0x1F000] =	vst v63  }
0x1e9: {  	s13 =	simm.s32 $0xF000  }
0x1ea: {  	[tilespmem:s13], [sflag:$0x1] =	stream.indirect_vreg.gather [hbm4b:s26+s3], $0x80, v4, vm1, $0xb8;
	[tilespmem:$0x1F000] =	vst v63  }
0x1eb: {  	s16 =	rddreg [dreg:$0x13];
	s20 =	simm.s32 $0xF800  }
0x1ec: {  	[tilespmem:s20], [sflag:$0x1] =	stream.indirect_vreg.gather [hbm4b:s16+s3], $0x80, v4, vm1, $0xb8;
	[tilespmem:$0x1F000] =	vst v63  }
0x1ed: {  	s21 =	simm.s32 $0x10000;
	s31 =	rddreg [dreg:$0x14]  }
0x1ee: {  	[tilespmem:s21], [sflag:$0x1] =	stream.indirect_vreg.gather [hbm4b:s31+s3], $0x80, v4, vm1, $0xb8;
	[tilespmem:$0x1F000] =	vst v63  }
0x1ef: {  	s22 =	rddreg [dreg:$0x15];
	s25 =	simm.s32 $0x10800  }
0x1f0: {  	[tilespmem:s25], [sflag:$0x1] =	stream.indirect_vreg.gather [hbm4b:s22+s3], $0x80, v4, vm1, $0xb8;
	[tilespmem:$0x1F000] =	vst v63  }
0x1f1: {  	s9 =	smov.u32 s15;
	s6 =	simm.s32 $0x11000;
	s22 =	rddreg [dreg:$0x16]  }
0x1f2: {  	[tilespmem:s6], [sflag:$0x1] =	stream.indirect_vreg.gather [hbm4b:s22+s3], $0x80, v4, vm1, $0xb8;
	[tilespmem:$0x1F000] =	vst v63  }
0x1f3: {  	s15 =	smov.u32 s7;
	s7 =	rddreg [dreg:$0x17];
	s13 =	simm.s32 $0x11800  }
0x1f4: {  	[tilespmem:s13], [sflag:$0x1] =	stream.indirect_vreg.gather [hbm4b:s7+s3], $0x80, v4, vm1, $0xb8;
	[tilespmem:$0x1F000] =	vst v63  }
0x1f5: {  	s16 =	simm.s32 $0x12000;
	s6 =	rddreg [dreg:$0x18]  }
0x1f6: {  	[tilespmem:s16], [sflag:$0x1] =	stream.indirect_vreg.gather [hbm4b:s6+s3], $0x80, v4, vm1, $0xb8;
	[tilespmem:$0x1F000] =	vst v63  }
0x1f7: {  	s20 =	rddreg [dreg:$0x19];
	s21 =	simm.s32 $0x12800  }
0x1f8: {  	[tilespmem:s21], [sflag:$0x1] =	stream.indirect_vreg.gather [hbm4b:s20+s3], $0x80, v4, vm1, $0xb8;
	[tilespmem:$0x1F000] =	vst v63  }
0x1f9: {  	s25 =	simm.s32 $0x13000;
	s13 =	rddreg [dreg:$0x1a]  }
0x1fa: {  	[tilespmem:s25], [sflag:$0x1] =	stream.indirect_vreg.gather [hbm4b:s13+s3], $0x80, v4, vm1, $0xb8;
	[tilespmem:$0x1F000] =	vst v63  }
0x1fb: {  	s7 =	rddreg [dreg:$0x1b];
	s16 =	simm.s32 $0x13800  }
0x1fc: {  	[tilespmem:s16], [sflag:$0x1] =	stream.indirect_vreg.gather [hbm4b:s7+s3], $0x80, v4, vm1, $0xb8;
	[tilespmem:$0x1F000] =	vst v63  }
0x1fd: {  	s20 =	simm.s32 $0x14000;
	s16 =	rddreg [dreg:$0x1c]  }
0x1fe: {  	[tilespmem:s20], [sflag:$0x1] =	stream.indirect_vreg.gather [hbm4b:s16+s3], $0x80, v4, vm1, $0xb8;
	[tilespmem:$0x1F000] =	vst v63  }
0x1ff: {  	s21 =	rddreg [dreg:$0x1d];
	s25 =	simm.s32 $0x14800;
	s20 =	simm.s32 $0x4  }
0x200: {  	[tilespmem:s25], [sflag:$0x1] =	stream.indirect_vreg.gather [hbm4b:s21+s3], $0x80, v4, vm0, $0xb8;
	[tilespmem:$0x1F000] =	vst v63  }
0x201: {  	_ =	swait.ge [sflag:s20], $0x9C00  }
0x202: {  	[sflag:s20] =	ssyncset.done $0x0  }
0x203: {  	[sflag:s20] =	ssyncadd.s32 $0xFFFF6400  }
0x204: {  	v4 =	vld.msk [tilespmem:s14+$0x0], $0xf;
	_ =	sdelay $0x4  }
0x205: {  	v5 =	vshrl.u32 v4, $0x3  }
0x206: {  	v5 =	vmul.u32 $0x278, v5  }
0x207: {  	v4 =	vand.u32 $0x7, v4  }
0x208: {  	v4 =	vor.u32 v4, v5  }
0x209: {  	v4 =	vperm.xlane v4, v2;
	_ =	sdelay $0x1  }
0x20a: {  	v4 =	vadd.s32 v3, v4;
	_ =	sdelay $0x3  }
0x20b: {  	s21 =	simm.s32 $0x14C00  }
0x20c: {  	[tilespmem:s21], [sflag:$0x2] =	stream.indirect_vreg.gather [hbm4b:s24+s3], $0x80, v4, vm1, $0xb8;
	[tilespmem:$0x1F000] =	vst v63  }
0x20d: {  	s25 =	simm.s32 $0x15400  }
0x20e: {  	[tilespmem:s25], [sflag:$0x2] =	stream.indirect_vreg.gather [hbm4b:s8+s3], $0x80, v4, vm1, $0xb8;
	[tilespmem:$0x1F000] =	vst v63  }
0x20f: {  	s8 =	simm.s32 $0x15C00  }
0x210: {  	[tilespmem:s8], [sflag:$0x2] =	stream.indirect_vreg.gather [hbm4b:s10+s3], $0x80, v4, vm1, $0xb8;
	[tilespmem:$0x1F000] =	vst v63  }
0x211: {  	s20 =	simm.s32 $0x16400  }
0x212: {  	[tilespmem:s20], [sflag:$0x2] =	stream.indirect_vreg.gather [hbm4b:s12+s3], $0x80, v4, vm1, $0xb8;
	[tilespmem:$0x1F000] =	vst v63  }
0x213: {  	s21 =	simm.s32 $0x16C00  }
0x214: {  	[tilespmem:s21], [sflag:$0x2] =	stream.indirect_vreg.gather [hbm4b:s5+s3], $0x80, v4, vm1, $0xb8;
	[tilespmem:$0x1F000] =	vst v63  }
0x215: {  	s4 =	smov.u32 s24;
	s24 =	simm.s32 $0x17400  }
0x216: {  	[tilespmem:s24], [sflag:$0x2] =	stream.indirect_vreg.gather [hbm4b:s19+s3], $0x80, v4, vm1, $0xb8;
	[tilespmem:$0x1F000] =	vst v63  }
0x217: {  	s25 =	simm.s32 $0x17C00  }
0x218: {  	[tilespmem:s25], [sflag:$0x2] =	stream.indirect_vreg.gather [hbm4b:s30+s3], $0x80, v4, vm1, $0xb8;
	[tilespmem:$0x1F000] =	vst v63  }
0x219: {  	s7 =	simm.s32 $0x18400  }
0x21a: {  	[tilespmem:s7], [sflag:$0x2] =	stream.indirect_vreg.gather [hbm4b:s17+s3], $0x80, v4, vm1, $0xb8;
	[tilespmem:$0x1F000] =	vst v63  }
0x21b: {  	s10 =	smov.u32 s12;
	s12 =	simm.s32 $0x18C00  }
0x21c: {  	[tilespmem:s12], [sflag:$0x2] =	stream.indirect_vreg.gather [hbm4b:s0+s3], $0x80, v4, vm1, $0xb8;
	[tilespmem:$0x1F000] =	vst v63  }
0x21d: {  	s19 =	simm.s32 $0x19400  }
0x21e: {  	[tilespmem:s19], [sflag:$0x2] =	stream.indirect_vreg.gather [hbm4b:s18+s3], $0x80, v4, vm1, $0xb8;
	[tilespmem:$0x1F000] =	vst v63  }
0x21f: {  	s25 =	simm.s32 $0x19C00  }
0x220: {  	[tilespmem:s25], [sflag:$0x2] =	stream.indirect_vreg.gather [hbm4b:s23+s3], $0x80, v4, vm1, $0xb8;
	[tilespmem:$0x1F000] =	vst v63  }
0x221: {  	s24 =	smov.u32 s30;
	s30 =	simm.s32 $0x1A400  }
0x222: {  	[tilespmem:s30], [sflag:$0x2] =	stream.indirect_vreg.gather [hbm4b:s2+s3], $0x80, v4, vm1, $0xb8;
	[tilespmem:$0x1F000] =	vst v63  }
0x223: {  	s7 =	smov.u32 s2;
	s2 =	simm.s32 $0x1AC00  }
0x224: {  	[tilespmem:s2], [sflag:$0x2] =	stream.indirect_vreg.gather [hbm4b:s11+s3], $0x80, v4, vm1, $0xb8;
	[tilespmem:$0x1F000] =	vst v63  }
0x225: {  	s12 =	simm.s32 $0x1B400  }
0x226: {  	[tilespmem:s12], [sflag:$0x2] =	stream.indirect_vreg.gather [hbm4b:s29+s3], $0x80, v4, vm1, $0xb8;
	[tilespmem:$0x1F000] =	vst v63  }
0x227: {  	s20 =	smov.u32 s18;
	s18 =	simm.s32 $0x1BC00  }
0x228: {  	[tilespmem:s18], [sflag:$0x2] =	stream.indirect_vreg.gather [hbm4b:s26+s3], $0x80, v4, vm1, $0xb8;
	[tilespmem:$0x1F000] =	vst v63  }
0x229: {  	s8 =	smov.u32 s5;
	s5 =	smov.u32 s23;
	s23 =	simm.s32 $0x1C400  }
0x22a: {  	[tilespmem:s23], [sflag:$0x2] =	stream.indirect_vreg.gather [hbm4b:s31+s3], $0x80, v4, vm1, $0xb8;
	[tilespmem:$0x1F000] =	vst v63  }
0x22b: {  	s26 =	simm.s32 $0x1CC00  }
0x22c: {  	[tilespmem:s26], [sflag:$0x2] =	stream.indirect_vreg.gather [hbm4b:s22+s3], $0x80, v4, vm1, $0xb8;
	[tilespmem:$0x1F000] =	vst v63  }
0x22d: {  	p0 =	sne.s32 s1, $0x8F300;
	s19 =	smov.u32 s29;
	s29 =	simm.s32 $0x1D400  }
0x22e: {  	[tilespmem:s29], [sflag:$0x2] =	stream.indirect_vreg.gather [hbm4b:s6+s3], $0x80, v4, vm1, $0xb8;
	[tilespmem:$0x1F000] =	vst v63  }
.Ltmp0:
0x22f: {  	s1 =	sadd.s32 $0x4F00, s1;
	(pc) =	sbr.rel @p0 .LBB2_2-.Ltmp0, $4  }
0x230: {  	s28 =	simm.s32 $0x14C00;
	s14 =	sadd.s32 $0x80, s14;
	s30 =	simm.s32 $0x1DC00  }
0x231: {  	[tilespmem:s30], [sflag:$0x2] =	stream.indirect_vreg.gather [hbm4b:s13+s3], $0x80, v4, vm1, $0xb8;
	[tilespmem:$0x1F000] =	vst v63  }
0x232: {  	s21 =	smov.u32 s0;
	s25 =	smov.u32 s11;
	s31 =	simm.s32 $0x1E400  }
0x233: {  	[tilespmem:s31], [sflag:$0x2] =	stream.indirect_vreg.gather [hbm4b:s16+s3], $0x80, v4, vm2, $0xb8;
	[tilespmem:$0x1F000] =	vst v63  }
0x234: {  	s0 =	simm.s32 $0x1  }
0x235: {  	_ =	swait.ge [sflag:s0], $0x13C00  }
0x236: {  	[sflag:s0] =	ssyncset.done $0x0  }
0x237: {  	s12 =	simm.s32 $0x5;
	[sflag:s0] =	ssyncadd.s32 $0xFFFEC400  }
0x238: {  	_ =	swait.ge [sflag:s12], $0x400  }
0x239: {  	[sflag:s12] =	ssyncset.done $0x0  }
0x23a: {  	[sflag:s12] =	ssyncadd.s32 $0xFFFFFC00  }
0x23b: {  	v4 =	vld [tilespmem:$0x14800]  }
0x23c: {  	v5 =	vld [tilespmem:$0x14880]  }
0x23d: {  	v6 =	vld [tilespmem:$0x14900]  }
0x23e: {  	v7 =	vld [tilespmem:$0x14980]  }
0x23f: {  	v8 =	vld [tilespmem:$0x14A00]  }
0x240: {  	v61 =	vld [tilespmem:$0x14B80];
	[tilespmem:$0x1EA00] =	vst v4  }
0x241: {  	v4 =	vld [tilespmem:$0x14A80];
	[tilespmem:$0x1EA80] =	vst v5  }
0x242: {  	v5 =	vld [tilespmem:$0x14B00];
	[tilespmem:$0x1EB00] =	vst v6  }
0x243: {  	[tilespmem:$0x1EB80] =	vst v7  }
0x244: {  	[tilespmem:$0x1EC00] =	vst v8  }
0x245: {  	[tilespmem:$0x1ED80] =	vst v61  }
0x246: {  	[tilespmem:$0x1EC80] =	vst v4  }
0x247: {  	s6 =	simm.s32 $0x1000;
	s1 =	rddreg [dreg:$0xc];
	[tilespmem:$0x1ED00] =	vst v5  }
0x248: {  	[hbm4b:s1+s3] =	stream.linear.scatter [tilespmem:s6], [sflag:$0x3], $0x13800, $0x38;
	[tilespmem:$0x1F000] =	vst v63  }
0x249: {  	s13 =	simm.s32 $0x1EA00;
	s14 =	simm.s32 $0x2;
	s11 =	rddreg [dreg:$0xd]  }
0x24a: {  	[hbm4b:s11+s3] =	stream.linear.scatter [tilespmem:s13], [sflag:$0x5], $0x400, $0x38;
	[tilespmem:$0x1F000] =	vst v63  }
0x24b: {  	_ =	swait.ge [sflag:s14], $0x9E00  }
0x24c: {  	[sflag:s14] =	ssyncset.done $0x0  }
0x24d: {  	s6 =	simm.s32 $0x6;
	[sflag:s14] =	ssyncadd.s32 $0xFFFF6200  }
0x24e: {  	_ =	swait.ge [sflag:s6], $0x200  }
0x24f: {  	[sflag:s6] =	ssyncset.done $0x0  }
0x250: {  	[sflag:s6] =	ssyncadd.s32 $0xFFFFFE00  }
0x251: {  	v4 =	vld [tilespmem:$0x1E800]  }
0x252: {  	v5 =	vld [tilespmem:$0x1E880]  }
0x253: {  	v62 =	vld [tilespmem:$0x1E900]  }
0x254: {  	v63 =	vld [tilespmem:$0x1E980];
	_ =	sdelay $0x1  }
0x255: {  	[tilespmem:$0x1EE00] =	vst v4  }
0x256: {  	[tilespmem:$0x1EE80] =	vst v5  }
0x257: {  	s30 =	smov.u32 s17;
	[tilespmem:$0x1EF00] =	vst v62  }
0x258: {  	s17 =	simm.s32 $0x200;
	s2 =	simm.s32 $0x400;
	s16 =	rddreg [dreg:$0xe];
	[tilespmem:$0x1EF80] =	vst v63  }
0x259: {  	[hbm4b:s16+s17] =	stream.strided.scatter [tilespmem:s28], [sflag:$0x4], $0x9C00, s2, s17, $0x38;
	[tilespmem:$0x1F000] =	vst v63  }
0x25a: {  	s22 =	simm.s32 $0x13C00;
	s11 =	simm.s32 $0x1EE00;
	s18 =	rddreg [dreg:$0xf]  }
0x25b: {  	[hbm4b:s18+s2] =	stream.strided.scatter [tilespmem:s11], [sflag:$0x6], $0x0, s22, s2, $0x38;
	[tilespmem:$0x1F000] =	vst v63  }
0x25c: {  	s23 =	simm.s32 $0x3  }
0x25d: {  	[hbm4b:s18+s3] =	stream.linear.scatter [tilespmem:s11], [sflag:$0x6], $0x200, $0x38;
	[tilespmem:$0x1F000] =	vst v63  }
0x25e: {  	_ =	swait.ge [sflag:s23], $0x13800  }
0x25f: {  	[sflag:s23] =	ssyncset.done $0x0  }
0x260: {  	s26 =	simm.s32 $0x4;
	[sflag:s23] =	ssyncadd.s32 $0xFFFEC800  }
0x261: {  	_ =	swait.ge [sflag:s26], $0x9C00  }
0x262: {  	[sflag:s26] =	ssyncset.done $0x0  }
0x263: {  	[sflag:s26] =	ssyncadd.s32 $0xFFFF6400  }
0x264: {  	_ =	swait.ge [sflag:s12], $0x400  }
0x265: {  	[sflag:s12] =	ssyncset.done $0x0  }
0x266: {  	[sflag:s12] =	ssyncadd.s32 $0xFFFFFC00  }
0x267: {  	_ =	swait.ge [sflag:s6], $0x200  }
0x268: {  	s14 =	sld [smem:$0x7E5];
	_ =	sdelay $0x2  }
0x269: {  	s31 =	rddreg [dreg:$0x10];
	s14 =	sadd.s32 $0x1, s14  }
0x26a: {  	p0 =	sne.s32 s14, s31  }
.Ltmp1:
0x26b: {  	_ = 	snop;
	(pc) =	sbr.rel @p0 .LBB2_1-.Ltmp1, $4  }
0x26c: {  	s29 =	simm.s32 $0x5800;
	s0 =	simm.s32 $0x1800;
	s17 =	simm.s32 $0x3800  }
0x26d: {  	s28 =	simm.s32 $0x5000;
	s2 =	simm.s32 $0x2000;
	s11 =	simm.s32 $0x2800  }
0x26e: {  	s18 =	simm.s32 $0x4000;
	s23 =	simm.s32 $0x4800;
	[sflag:s6] =	ssyncset.done $0x0  }
0x26f: {  	s12 =	simm.s32 $0x3000;
	s13 =	sld [smem:$0x7F3];
	[sflag:s6] =	ssyncadd.s32 $0xFFFFFE00  }
0x270: {  	_ =	sfence.sel $0x180000  }
0x271: {  	[bflag:$0x0] =	sbarrier.arrive $0xFFFF  }
0x272: {  	_ =	strace $0x90000047  }
0x273: {  	s0 =	stileid.u32;
	[bflag:$0x2] =	sbarrier.arrive $0xFFFF  }
0x274: {  	p0 =	sne.s32 s0, $0x0;
	s0 =	rddreg [dreg:$0x2]  }
0x275: {  	s0 =	sadd.s32 @!p0 $0x100000, s0  }
0x276: {  	[sflag:s0] =	ssyncadd.tile.s32 @!p0 $0x1;
	_ =	shalt  }
.Lfunc_end2:
_tile_overlayer_lowered:
.L_overlay_start_2:
0x277: {  	(tag) =	ssettag $0x2  }
0x278: {  	s0 =	rddreg [dreg:$0x0];
	s2 =	stileid.u32  }
0x279: {  	s1 =	rddreg [dreg:$0x1];
	p0 =	sne.s32 s2, $0x0  }
0x27a: {  	s3 =	rddreg [dreg:$0x2];
	[bflag:$0x3] =	sbarrier.arrive $0xFFFF;
	s2 =	simm.s32 @!p0 $0x1C07  }
0x27b: {  	[timem:s3], [sflag:s2] =	dma.local @!p0 [hbm:s0], s1  }
0x27c: {  	s0 =	simm.s32 @!p0 $0x7  }
0x27d: {  	_ =	swait.ge @!p0 [sflag:s0], s1  }
0x27e: {  	s1 =	ssub.s32 @!p0 $0x0, s1;
	[sflag:s0] =	ssyncset.done @!p0 $0x0  }
0x27f: {  	[sflag:s0] =	ssyncadd.s32 @!p0 s1  }
0x280: {  	[bflag:$0x3] =	sbarrier.arrive $0xFFFF  }
0x281: {  	_ =	shalt  }

</sc_bundles>
